<compile_context>
chip_gen: v7x
topology: tpu7x:2x2x1
jax: 0.10.2.dev20260603
libtpu: 0.0.44.dev20260713+nightly
codegen_flags: <defaults>
</compile_context>

<pallas_src>
import jax
import jax.numpy as jnp
from jax import lax
from jax.experimental import pallas as pl
from jax.experimental.pallas import tpu as pltpu
from jax.experimental.pallas import tpu_sc as plsc

_ROWS = 8192
_COLS = 1024
_NC = 2
_NS = 16
_NW = _NC * _NS
_RPW = _ROWS // _NW
_CHUNK = 16
_NCHUNK = _RPW // _CHUNK
_NBUF = 7
_LEAD = 2


def _sc_copy(table_hbm, out_hbm, *rest):
    bufs = rest[:_NBUF]
    load_sems, store_sems = rest[_NBUF], rest[_NBUF + 1]
    wid = lax.axis_index("s") * _NC + lax.axis_index("c")
    base = wid * _RPW

    def load(g):
        return pltpu.make_async_copy(
            table_hbm.at[pl.ds(base + g * _CHUNK, _CHUNK), :],
            bufs[g % _NBUF],
            load_sems.at[g % _NBUF],
        )

    def store(g):
        return pltpu.make_async_copy(
            bufs[g % _NBUF],
            out_hbm.at[pl.ds(base + g * _CHUNK, _CHUNK), :],
            store_sems.at[g % _NBUF],
        )

    for g in range(_LEAD):
        load(g).start()
    for g in range(_NCHUNK):
        load(g).wait()
        store(g).start()
        if g + _LEAD < _NCHUNK:
            if g + _LEAD - _NBUF >= 0:
                store(g + _LEAD - _NBUF).wait()
            load(g + _LEAD).start()
    for g in range(_NCHUNK - _NBUF, _NCHUNK):
        store(g).wait()


def kernel(wpe):
    k = pl.kernel(
        _sc_copy,
        out_type=jax.ShapeDtypeStruct((_ROWS, _COLS), jnp.float32),
        mesh=plsc.VectorSubcoreMesh(core_axis_name="c", subcore_axis_name="s"),
        scratch_types=(
            [pltpu.VMEM((_CHUNK, _COLS), jnp.float32) for _ in range(_NBUF)]
            + [pltpu.SemaphoreType.DMA((_NBUF,)), pltpu.SemaphoreType.DMA((_NBUF,))]
        ),
    )
    return k(wpe).reshape(1, _ROWS, _COLS)

# --- scband reference (transcript-rebuilt; emitter-appended) ---
"""Pipeline reference for scband-position-embedding-12206297055238 (READ-ONLY COPY).

The authoritative reference and input builder live on the scoring server;
editing this copy changes nothing except your own understanding.
"""

import jax, jax.numpy as jnp
import numpy as np

BLOCK_SIZE = 8192
N_EMBD = 1024

def setup_inputs(seed: int = 0) -> dict:
    key = jax.random.key(seed)
    # Learned position embedding table, sized per init_kwargs.
    # flax nnx.Embed default init is normal(stddev=1.0) scaled variants; use normal*0.02 (GPT-style) for realism.
    wpe = jax.random.normal(key, (BLOCK_SIZE, N_EMBD), dtype=jnp.float32) * 0.02
    return {"wpe": wpe}

def reference(wpe):
    # Faithful translation of PositionEmbedding.__call__:
    # pos = arange(block_size) reshaped to (1, block_size); embed lookup -> (1, block_size, n_embd)
    pos = jnp.arange(BLOCK_SIZE, dtype=jnp.int32).reshape((1, BLOCK_SIZE))
    out = jnp.take(wpe, pos, axis=0)
    return out

if __name__ == "__main__":
    import jax
    _d = setup_inputs()
    print(jax.jit(kernel)(*tuple(_d.values())))

</pallas_src>

<mosaic_0001>
#map = affine_map<(d0, d1) -> (0, 0)>
module attributes {stable_mosaic.version = 14 : i64} {
  func.func @_sc_copy(%arg0: i32, %arg1: i32, %arg2: memref<8192x1024xf32, #tpu.memory_space<hbm>>, %arg3: memref<8192x1024xf32, #tpu.memory_space<hbm>>, %arg4: memref<16x1024xf32, #tpu.memory_space<vmem>>, %arg5: memref<16x1024xf32, #tpu.memory_space<vmem>>, %arg6: memref<16x1024xf32, #tpu.memory_space<vmem>>, %arg7: memref<16x1024xf32, #tpu.memory_space<vmem>>, %arg8: memref<16x1024xf32, #tpu.memory_space<vmem>>, %arg9: memref<16x1024xf32, #tpu.memory_space<vmem>>, %arg10: memref<16x1024xf32, #tpu.memory_space<vmem>>, %arg11: memref<7x!tpu.dma_semaphore, #tpu.memory_space<semaphore_mem>>, %arg12: memref<7x!tpu.dma_semaphore, #tpu.memory_space<semaphore_mem>>) attributes {dimension_semantics = [#tpu.dimension_semantics<core_parallel>, #tpu.dimension_semantics<subcore_parallel>], iteration_bounds = array<i64: 2, 16>, scalar_prefetch = 0 : i64, scratch_operands = 9 : i64, tpu.core_type = #tpu.core_type<sc_vector_subcore>, window_params = [{transform_indices = #map}, {transform_indices = #map}]} {
    %mul3A = arith.constant 2 : i32
    %mul3A_0 = arith.muli %arg1, %mul3A : i32
    %add3A = arith.addi %mul3A_0, %arg0 : i32
    %mul3A_1 = arith.constant 256 : i32
    %mul3A_2 = arith.muli %add3A, %mul3A_1 : i32
    %add3A_3 = arith.constant 0 : i32
    %add3A_4 = arith.addi %mul3A_2, %add3A_3 : i32
    %dma_start3A = arith.constant 0 : i32
    %dma_start3A_5 = arith.constant 0 : i32
    %dma_start3A_6 = tpu.memref_slice %arg2[%add3A_4, %dma_start3A_5] : memref<8192x1024xf32, #tpu.memory_space<hbm>> -> memref<16x1024xf32, #tpu.memory_space<hbm>>
    %dma_start3A_7 = tpu.memref_slice %arg11[%dma_start3A] : memref<7x!tpu.dma_semaphore, #tpu.memory_space<semaphore_mem>> -> memref<1x!tpu.dma_semaphore, #tpu.memory_space<semaphore_mem>>
    %dma_start3A_8 = tpu.memref_squeeze %dma_start3A_7 : memref<1x!tpu.dma_semaphore, #tpu.memory_space<semaphore_mem>> -> memref<!tpu.dma_semaphore, #tpu.memory_space<semaphore_mem>>
    %dma_start3A_9 = arith.constant 0 : i32
    %dma_start3A_10 = tpu.memref_slice %arg2[%add3A_4, %dma_start3A_9] : memref<8192x1024xf32, #tpu.memory_space<hbm>> -> memref<16x1024xf32, #tpu.memory_space<hbm>>
    tpu.enqueue_dma source(%dma_start3A_10 : memref<16x1024xf32, #tpu.memory_space<hbm>>) target(%arg4 : memref<16x1024xf32, #tpu.memory_space<vmem>>) target_semaphore(%dma_start3A_8 : memref<!tpu.dma_semaphore, #tpu.memory_space<semaphore_mem>>)
    %add3A_11 = arith.constant 16 : i32
    %add3A_12 = arith.addi %mul3A_2, %add3A_11 : i32
    %dma_start3A_13 = arith.constant 1 : i32
    %dma_start3A_14 = arith.constant 0 : i32
    %dma_start3A_15 = tpu.memref_slice %arg2[%add3A_12, %dma_start3A_14] : memref<8192x1024xf32, #tpu.memory_space<hbm>> -> memref<16x1024xf32, #tpu.memory_space<hbm>>
    %dma_start3A_16 = tpu.memref_slice %arg11[%dma_start3A_13] : memref<7x!tpu.dma_semaphore, #tpu.memory_space<semaphore_mem>> -> memref<1x!tpu.dma_semaphore, #tpu.memory_space<semaphore_mem>>
    %dma_start3A_17 = tpu.memref_squeeze %dma_start3A_16 : memref<1x!tpu.dma_semaphore, #tpu.memory_space<semaphore_mem>> -> memref<!tpu.dma_semaphore, #tpu.memory_space<semaphore_mem>>
    %dma_start3A_18 = arith.constant 0 : i32
    %dma_start3A_19 = tpu.memref_slice %arg2[%add3A_12, %dma_start3A_18] : memref<8192x1024xf32, #tpu.memory_space<hbm>> -> memref<16x1024xf32, #tpu.memory_space<hbm>>
    tpu.enqueue_dma source(%dma_start3A_19 : memref<16x1024xf32, #tpu.memory_space<hbm>>) target(%arg5 : memref<16x1024xf32, #tpu.memory_space<vmem>>) target_semaphore(%dma_start3A_17 : memref<!tpu.dma_semaphore, #tpu.memory_space<semaphore_mem>>)
    %add3A_20 = arith.constant 0 : i32
    %add3A_21 = arith.addi %mul3A_2, %add3A_20 : i32
    %dma_wait3A = arith.constant 0 : i32
    %dma_wait3A_22 = arith.constant 0 : i32
    %dma_wait3A_23 = tpu.memref_slice %arg2[%add3A_21, %dma_wait3A_22] : memref<8192x1024xf32, #tpu.memory_space<hbm>> -> memref<16x1024xf32, #tpu.memory_space<hbm>>
    %dma_wait3A_24 = tpu.memref_slice %arg11[%dma_wait3A] : memref<7x!tpu.dma_semaphore, #tpu.memory_space<semaphore_mem>> -> memref<1x!tpu.dma_semaphore, #tpu.memory_space<semaphore_mem>>
    %dma_wait3A_25 = tpu.memref_squeeze %dma_wait3A_24 : memref<1x!tpu.dma_semaphore, #tpu.memory_space<semaphore_mem>> -> memref<!tpu.dma_semaphore, #tpu.memory_space<semaphore_mem>>
    %dma_wait3A_26 = arith.constant 0 : i32
    %dma_wait3A_27 = tpu.memref_slice %arg2[%add3A_21, %dma_wait3A_26] : memref<8192x1024xf32, #tpu.memory_space<hbm>> -> memref<16x1024xf32, #tpu.memory_space<hbm>>
    tpu.wait_dma2 semaphore(%dma_wait3A_25 : memref<!tpu.dma_semaphore, #tpu.memory_space<semaphore_mem>>) src(%dma_wait3A_27 : memref<16x1024xf32, #tpu.memory_space<hbm>>) dst(%arg4 : memref<16x1024xf32, #tpu.memory_space<vmem>>)
    %add3A_28 = arith.constant 0 : i32
    %add3A_29 = arith.addi %mul3A_2, %add3A_28 : i32
    %dma_start3A_30 = arith.constant 0 : i32
    %dma_start3A_31 = arith.constant 0 : i32
    %dma_start3A_32 = tpu.memref_slice %arg3[%add3A_29, %dma_start3A_31] : memref<8192x1024xf32, #tpu.memory_space<hbm>> -> memref<16x1024xf32, #tpu.memory_space<hbm>>
    %dma_start3A_33 = tpu.memref_slice %arg12[%dma_start3A_30] : memref<7x!tpu.dma_semaphore, #tpu.memory_space<semaphore_mem>> -> memref<1x!tpu.dma_semaphore, #tpu.memory_space<semaphore_mem>>
    %dma_start3A_34 = tpu.memref_squeeze %dma_start3A_33 : memref<1x!tpu.dma_semaphore, #tpu.memory_space<semaphore_mem>> -> memref<!tpu.dma_semaphore, #tpu.memory_space<semaphore_mem>>
    %dma_start3A_35 = arith.constant 0 : i32
    %dma_start3A_36 = tpu.memref_slice %arg3[%add3A_29, %dma_start3A_35] : memref<8192x1024xf32, #tpu.memory_space<hbm>> -> memref<16x1024xf32, #tpu.memory_space<hbm>>
    tpu.enqueue_dma source(%arg4 : memref<16x1024xf32, #tpu.memory_space<vmem>>) target(%dma_start3A_36 : memref<16x1024xf32, #tpu.memory_space<hbm>>) target_semaphore(%dma_start3A_34 : memref<!tpu.dma_semaphore, #tpu.memory_space<semaphore_mem>>)
    %add3A_37 = arith.constant 32 : i32
    %add3A_38 = arith.addi %mul3A_2, %add3A_37 : i32
    %dma_start3A_39 = arith.constant 2 : i32
    %dma_start3A_40 = arith.constant 0 : i32
    %dma_start3A_41 = tpu.memref_slice %arg2[%add3A_38, %dma_start3A_40] : memref<8192x1024xf32, #tpu.memory_space<hbm>> -> memref<16x1024xf32, #tpu.memory_space<hbm>>
    %dma_start3A_42 = tpu.memref_slice %arg11[%dma_start3A_39] : memref<7x!tpu.dma_semaphore, #tpu.memory_space<semaphore_mem>> -> memref<1x!tpu.dma_semaphore, #tpu.memory_space<semaphore_mem>>
    %dma_start3A_43 = tpu.memref_squeeze %dma_start3A_42 : memref<1x!tpu.dma_semaphore, #tpu.memory_space<semaphore_mem>> -> memref<!tpu.dma_semaphore, #tpu.memory_space<semaphore_mem>>
    %dma_start3A_44 = arith.constant 0 : i32
    %dma_start3A_45 = tpu.memref_slice %arg2[%add3A_38, %dma_start3A_44] : memref<8192x1024xf32, #tpu.memory_space<hbm>> -> memref<16x1024xf32, #tpu.memory_space<hbm>>
    tpu.enqueue_dma source(%dma_start3A_45 : memref<16x1024xf32, #tpu.memory_space<hbm>>) target(%arg6 : memref<16x1024xf32, #tpu.memory_space<vmem>>) target_semaphore(%dma_start3A_43 : memref<!tpu.dma_semaphore, #tpu.memory_space<semaphore_mem>>)
    %add3A_46 = arith.constant 16 : i32
    %add3A_47 = arith.addi %mul3A_2, %add3A_46 : i32
    %dma_wait3A_48 = arith.constant 1 : i32
    %dma_wait3A_49 = arith.constant 0 : i32
    %dma_wait3A_50 = tpu.memref_slice %arg2[%add3A_47, %dma_wait3A_49] : memref<8192x1024xf32, #tpu.memory_space<hbm>> -> memref<16x1024xf32, #tpu.memory_space<hbm>>
    %dma_wait3A_51 = tpu.memref_slice %arg11[%dma_wait3A_48] : memref<7x!tpu.dma_semaphore, #tpu.memory_space<semaphore_mem>> -> memref<1x!tpu.dma_semaphore, #tpu.memory_space<semaphore_mem>>
    %dma_wait3A_52 = tpu.memref_squeeze %dma_wait3A_51 : memref<1x!tpu.dma_semaphore, #tpu.memory_space<semaphore_mem>> -> memref<!tpu.dma_semaphore, #tpu.memory_space<semaphore_mem>>
    %dma_wait3A_53 = arith.constant 0 : i32
    %dma_wait3A_54 = tpu.memref_slice %arg2[%add3A_47, %dma_wait3A_53] : memref<8192x1024xf32, #tpu.memory_space<hbm>> -> memref<16x1024xf32, #tpu.memory_space<hbm>>
    tpu.wait_dma2 semaphore(%dma_wait3A_52 : memref<!tpu.dma_semaphore, #tpu.memory_space<semaphore_mem>>) src(%dma_wait3A_54 : memref<16x1024xf32, #tpu.memory_space<hbm>>) dst(%arg5 : memref<16x1024xf32, #tpu.memory_space<vmem>>)
    %add3A_55 = arith.constant 16 : i32
    %add3A_56 = arith.addi %mul3A_2, %add3A_55 : i32
    %dma_start3A_57 = arith.constant 1 : i32
    %dma_start3A_58 = arith.constant 0 : i32
    %dma_start3A_59 = tpu.memref_slice %arg3[%add3A_56, %dma_start3A_58] : memref<8192x1024xf32, #tpu.memory_space<hbm>> -> memref<16x1024xf32, #tpu.memory_space<hbm>>
    %dma_start3A_60 = tpu.memref_slice %arg12[%dma_start3A_57] : memref<7x!tpu.dma_semaphore, #tpu.memory_space<semaphore_mem>> -> memref<1x!tpu.dma_semaphore, #tpu.memory_space<semaphore_mem>>
    %dma_start3A_61 = tpu.memref_squeeze %dma_start3A_60 : memref<1x!tpu.dma_semaphore, #tpu.memory_space<semaphore_mem>> -> memref<!tpu.dma_semaphore, #tpu.memory_space<semaphore_mem>>
    %dma_start3A_62 = arith.constant 0 : i32
    %dma_start3A_63 = tpu.memref_slice %arg3[%add3A_56, %dma_start3A_62] : memref<8192x1024xf32, #tpu.memory_space<hbm>> -> memref<16x1024xf32, #tpu.memory_space<hbm>>
    tpu.enqueue_dma source(%arg5 : memref<16x1024xf32, #tpu.memory_space<vmem>>) target(%dma_start3A_63 : memref<16x1024xf32, #tpu.memory_space<hbm>>) target_semaphore(%dma_start3A_61 : memref<!tpu.dma_semaphore, #tpu.memory_space<semaphore_mem>>)
    %add3A_64 = arith.constant 48 : i32
    %add3A_65 = arith.addi %mul3A_2, %add3A_64 : i32
    %dma_start3A_66 = arith.constant 3 : i32
    %dma_start3A_67 = arith.constant 0 : i32
    %dma_start3A_68 = tpu.memref_slice %arg2[%add3A_65, %dma_start3A_67] : memref<8192x1024xf32, #tpu.memory_space<hbm>> -> memref<16x1024xf32, #tpu.memory_space<hbm>>
    %dma_start3A_69 = tpu.memref_slice %arg11[%dma_start3A_66] : memref<7x!tpu.dma_semaphore, #tpu.memory_space<semaphore_mem>> -> memref<1x!tpu.dma_semaphore, #tpu.memory_space<semaphore_mem>>
    %dma_start3A_70 = tpu.memref_squeeze %dma_start3A_69 : memref<1x!tpu.dma_semaphore, #tpu.memory_space<semaphore_mem>> -> memref<!tpu.dma_semaphore, #tpu.memory_space<semaphore_mem>>
    %dma_start3A_71 = arith.constant 0 : i32
    %dma_start3A_72 = tpu.memref_slice %arg2[%add3A_65, %dma_start3A_71] : memref<8192x1024xf32, #tpu.memory_space<hbm>> -> memref<16x1024xf32, #tpu.memory_space<hbm>>
    tpu.enqueue_dma source(%dma_start3A_72 : memref<16x1024xf32, #tpu.memory_space<hbm>>) target(%arg7 : memref<16x1024xf32, #tpu.memory_space<vmem>>) target_semaphore(%dma_start3A_70 : memref<!tpu.dma_semaphore, #tpu.memory_space<semaphore_mem>>)
    %add3A_73 = arith.constant 32 : i32
    %add3A_74 = arith.addi %mul3A_2, %add3A_73 : i32
    %dma_wait3A_75 = arith.constant 2 : i32
    %dma_wait3A_76 = arith.constant 0 : i32
    %dma_wait3A_77 = tpu.memref_slice %arg2[%add3A_74, %dma_wait3A_76] : memref<8192x1024xf32, #tpu.memory_space<hbm>> -> memref<16x1024xf32, #tpu.memory_space<hbm>>
    %dma_wait3A_78 = tpu.memref_slice %arg11[%dma_wait3A_75] : memref<7x!tpu.dma_semaphore, #tpu.memory_space<semaphore_mem>> -> memref<1x!tpu.dma_semaphore, #tpu.memory_space<semaphore_mem>>
    %dma_wait3A_79 = tpu.memref_squeeze %dma_wait3A_78 : memref<1x!tpu.dma_semaphore, #tpu.memory_space<semaphore_mem>> -> memref<!tpu.dma_semaphore, #tpu.memory_space<semaphore_mem>>
    %dma_wait3A_80 = arith.constant 0 : i32
    %dma_wait3A_81 = tpu.memref_slice %arg2[%add3A_74, %dma_wait3A_80] : memref<8192x1024xf32, #tpu.memory_space<hbm>> -> memref<16x1024xf32, #tpu.memory_space<hbm>>
    tpu.wait_dma2 semaphore(%dma_wait3A_79 : memref<!tpu.dma_semaphore, #tpu.memory_space<semaphore_mem>>) src(%dma_wait3A_81 : memref<16x1024xf32, #tpu.memory_space<hbm>>) dst(%arg6 : memref<16x1024xf32, #tpu.memory_space<vmem>>)
    %add3A_82 = arith.constant 32 : i32
    %add3A_83 = arith.addi %mul3A_2, %add3A_82 : i32
    %dma_start3A_84 = arith.constant 2 : i32
    %dma_start3A_85 = arith.constant 0 : i32
    %dma_start3A_86 = tpu.memref_slice %arg3[%add3A_83, %dma_start3A_85] : memref<8192x1024xf32, #tpu.memory_space<hbm>> -> memref<16x1024xf32, #tpu.memory_space<hbm>>
    %dma_start3A_87 = tpu.memref_slice %arg12[%dma_start3A_84] : memref<7x!tpu.dma_semaphore, #tpu.memory_space<semaphore_mem>> -> memref<1x!tpu.dma_semaphore, #tpu.memory_space<semaphore_mem>>
    %dma_start3A_88 = tpu.memref_squeeze %dma_start3A_87 : memref<1x!tpu.dma_semaphore, #tpu.memory_space<semaphore_mem>> -> memref<!tpu.dma_semaphore, #tpu.memory_space<semaphore_mem>>
    %dma_start3A_89 = arith.constant 0 : i32
    %dma_start3A_90 = tpu.memref_slice %arg3[%add3A_83, %dma_start3A_89] : memref<8192x1024xf32, #tpu.memory_space<hbm>> -> memref<16x1024xf32, #tpu.memory_space<hbm>>
    tpu.enqueue_dma source(%arg6 : memref<16x1024xf32, #tpu.memory_space<vmem>>) target(%dma_start3A_90 : memref<16x1024xf32, #tpu.memory_space<hbm>>) target_semaphore(%dma_start3A_88 : memref<!tpu.dma_semaphore, #tpu.memory_space<semaphore_mem>>)
    %add3A_91 = arith.constant 64 : i32
    %add3A_92 = arith.addi %mul3A_2, %add3A_91 : i32
    %dma_start3A_93 = arith.constant 4 : i32
    %dma_start3A_94 = arith.constant 0 : i32
    %dma_start3A_95 = tpu.memref_slice %arg2[%add3A_92, %dma_start3A_94] : memref<8192x1024xf32, #tpu.memory_space<hbm>> -> memref<16x1024xf32, #tpu.memory_space<hbm>>
    %dma_start3A_96 = tpu.memref_slice %arg11[%dma_start3A_93] : memref<7x!tpu.dma_semaphore, #tpu.memory_space<semaphore_mem>> -> memref<1x!tpu.dma_semaphore, #tpu.memory_space<semaphore_mem>>
    %dma_start3A_97 = tpu.memref_squeeze %dma_start3A_96 : memref<1x!tpu.dma_semaphore, #tpu.memory_space<semaphore_mem>> -> memref<!tpu.dma_semaphore, #tpu.memory_space<semaphore_mem>>
    %dma_start3A_98 = arith.constant 0 : i32
    %dma_start3A_99 = tpu.memref_slice %arg2[%add3A_92, %dma_start3A_98] : memref<8192x1024xf32, #tpu.memory_space<hbm>> -> memref<16x1024xf32, #tpu.memory_space<hbm>>
    tpu.enqueue_dma source(%dma_start3A_99 : memref<16x1024xf32, #tpu.memory_space<hbm>>) target(%arg8 : memref<16x1024xf32, #tpu.memory_space<vmem>>) target_semaphore(%dma_start3A_97 : memref<!tpu.dma_semaphore, #tpu.memory_space<semaphore_mem>>)
    %add3A_100 = arith.constant 48 : i32
    %add3A_101 = arith.addi %mul3A_2, %add3A_100 : i32
    %dma_wait3A_102 = arith.constant 3 : i32
    %dma_wait3A_103 = arith.constant 0 : i32
    %dma_wait3A_104 = tpu.memref_slice %arg2[%add3A_101, %dma_wait3A_103] : memref<8192x1024xf32, #tpu.memory_space<hbm>> -> memref<16x1024xf32, #tpu.memory_space<hbm>>
    %dma_wait3A_105 = tpu.memref_slice %arg11[%dma_wait3A_102] : memref<7x!tpu.dma_semaphore, #tpu.memory_space<semaphore_mem>> -> memref<1x!tpu.dma_semaphore, #tpu.memory_space<semaphore_mem>>
    %dma_wait3A_106 = tpu.memref_squeeze %dma_wait3A_105 : memref<1x!tpu.dma_semaphore, #tpu.memory_space<semaphore_mem>> -> memref<!tpu.dma_semaphore, #tpu.memory_space<semaphore_mem>>
    %dma_wait3A_107 = arith.constant 0 : i32
    %dma_wait3A_108 = tpu.memref_slice %arg2[%add3A_101, %dma_wait3A_107] : memref<8192x1024xf32, #tpu.memory_space<hbm>> -> memref<16x1024xf32, #tpu.memory_space<hbm>>
    tpu.wait_dma2 semaphore(%dma_wait3A_106 : memref<!tpu.dma_semaphore, #tpu.memory_space<semaphore_mem>>) src(%dma_wait3A_108 : memref<16x1024xf32, #tpu.memory_space<hbm>>) dst(%arg7 : memref<16x1024xf32, #tpu.memory_space<vmem>>)
    %add3A_109 = arith.constant 48 : i32
    %add3A_110 = arith.addi %mul3A_2, %add3A_109 : i32
    %dma_start3A_111 = arith.constant 3 : i32
    %dma_start3A_112 = arith.constant 0 : i32
    %dma_start3A_113 = tpu.memref_slice %arg3[%add3A_110, %dma_start3A_112] : memref<8192x1024xf32, #tpu.memory_space<hbm>> -> memref<16x1024xf32, #tpu.memory_space<hbm>>
    %dma_start3A_114 = tpu.memref_slice %arg12[%dma_start3A_111] : memref<7x!tpu.dma_semaphore, #tpu.memory_space<semaphore_mem>> -> memref<1x!tpu.dma_semaphore, #tpu.memory_space<semaphore_mem>>
    %dma_start3A_115 = tpu.memref_squeeze %dma_start3A_114 : memref<1x!tpu.dma_semaphore, #tpu.memory_space<semaphore_mem>> -> memref<!tpu.dma_semaphore, #tpu.memory_space<semaphore_mem>>
    %dma_start3A_116 = arith.constant 0 : i32
    %dma_start3A_117 = tpu.memref_slice %arg3[%add3A_110, %dma_start3A_116] : memref<8192x1024xf32, #tpu.memory_space<hbm>> -> memref<16x1024xf32, #tpu.memory_space<hbm>>
    tpu.enqueue_dma source(%arg7 : memref<16x1024xf32, #tpu.memory_space<vmem>>) target(%dma_start3A_117 : memref<16x1024xf32, #tpu.memory_space<hbm>>) target_semaphore(%dma_start3A_115 : memref<!tpu.dma_semaphore, #tpu.memory_space<semaphore_mem>>)
    %add3A_118 = arith.constant 80 : i32
    %add3A_119 = arith.addi %mul3A_2, %add3A_118 : i32
    %dma_start3A_120 = arith.constant 5 : i32
    %dma_start3A_121 = arith.constant 0 : i32
    %dma_start3A_122 = tpu.memref_slice %arg2[%add3A_119, %dma_start3A_121] : memref<8192x1024xf32, #tpu.memory_space<hbm>> -> memref<16x1024xf32, #tpu.memory_space<hbm>>
    %dma_start3A_123 = tpu.memref_slice %arg11[%dma_start3A_120] : memref<7x!tpu.dma_semaphore, #tpu.memory_space<semaphore_mem>> -> memref<1x!tpu.dma_semaphore, #tpu.memory_space<semaphore_mem>>
    %dma_start3A_124 = tpu.memref_squeeze %dma_start3A_123 : memref<1x!tpu.dma_semaphore, #tpu.memory_space<semaphore_mem>> -> memref<!tpu.dma_semaphore, #tpu.memory_space<semaphore_mem>>
    %dma_start3A_125 = arith.constant 0 : i32
    %dma_start3A_126 = tpu.memref_slice %arg2[%add3A_119, %dma_start3A_125] : memref<8192x1024xf32, #tpu.memory_space<hbm>> -> memref<16x1024xf32, #tpu.memory_space<hbm>>
    tpu.enqueue_dma source(%dma_start3A_126 : memref<16x1024xf32, #tpu.memory_space<hbm>>) target(%arg9 : memref<16x1024xf32, #tpu.memory_space<vmem>>) target_semaphore(%dma_start3A_124 : memref<!tpu.dma_semaphore, #tpu.memory_space<semaphore_mem>>)
    %add3A_127 = arith.constant 64 : i32
    %add3A_128 = arith.addi %mul3A_2, %add3A_127 : i32
    %dma_wait3A_129 = arith.constant 4 : i32
    %dma_wait3A_130 = arith.constant 0 : i32
    %dma_wait3A_131 = tpu.memref_slice %arg2[%add3A_128, %dma_wait3A_130] : memref<8192x1024xf32, #tpu.memory_space<hbm>> -> memref<16x1024xf32, #tpu.memory_space<hbm>>
    %dma_wait3A_132 = tpu.memref_slice %arg11[%dma_wait3A_129] : memref<7x!tpu.dma_semaphore, #tpu.memory_space<semaphore_mem>> -> memref<1x!tpu.dma_semaphore, #tpu.memory_space<semaphore_mem>>
    %dma_wait3A_133 = tpu.memref_squeeze %dma_wait3A_132 : memref<1x!tpu.dma_semaphore, #tpu.memory_space<semaphore_mem>> -> memref<!tpu.dma_semaphore, #tpu.memory_space<semaphore_mem>>
    %dma_wait3A_134 = arith.constant 0 : i32
    %dma_wait3A_135 = tpu.memref_slice %arg2[%add3A_128, %dma_wait3A_134] : memref<8192x1024xf32, #tpu.memory_space<hbm>> -> memref<16x1024xf32, #tpu.memory_space<hbm>>
    tpu.wait_dma2 semaphore(%dma_wait3A_133 : memref<!tpu.dma_semaphore, #tpu.memory_space<semaphore_mem>>) src(%dma_wait3A_135 : memref<16x1024xf32, #tpu.memory_space<hbm>>) dst(%arg8 : memref<16x1024xf32, #tpu.memory_space<vmem>>)
    %add3A_136 = arith.constant 64 : i32
    %add3A_137 = arith.addi %mul3A_2, %add3A_136 : i32
    %dma_start3A_138 = arith.constant 4 : i32
    %dma_start3A_139 = arith.constant 0 : i32
    %dma_start3A_140 = tpu.memref_slice %arg3[%add3A_137, %dma_start3A_139] : memref<8192x1024xf32, #tpu.memory_space<hbm>> -> memref<16x1024xf32, #tpu.memory_space<hbm>>
    %dma_start3A_141 = tpu.memref_slice %arg12[%dma_start3A_138] : memref<7x!tpu.dma_semaphore, #tpu.memory_space<semaphore_mem>> -> memref<1x!tpu.dma_semaphore, #tpu.memory_space<semaphore_mem>>
    %dma_start3A_142 = tpu.memref_squeeze %dma_start3A_141 : memref<1x!tpu.dma_semaphore, #tpu.memory_space<semaphore_mem>> -> memref<!tpu.dma_semaphore, #tpu.memory_space<semaphore_mem>>
    %dma_start3A_143 = arith.constant 0 : i32
    %dma_start3A_144 = tpu.memref_slice %arg3[%add3A_137, %dma_start3A_143] : memref<8192x1024xf32, #tpu.memory_space<hbm>> -> memref<16x1024xf32, #tpu.memory_space<hbm>>
    tpu.enqueue_dma source(%arg8 : memref<16x1024xf32, #tpu.memory_space<vmem>>) target(%dma_start3A_144 : memref<16x1024xf32, #tpu.memory_space<hbm>>) target_semaphore(%dma_start3A_142 : memref<!tpu.dma_semaphore, #tpu.memory_space<semaphore_mem>>)
    %add3A_145 = arith.constant 96 : i32
    %add3A_146 = arith.addi %mul3A_2, %add3A_145 : i32
    %dma_start3A_147 = arith.constant 6 : i32
    %dma_start3A_148 = arith.constant 0 : i32
    %dma_start3A_149 = tpu.memref_slice %arg2[%add3A_146, %dma_start3A_148] : memref<8192x1024xf32, #tpu.memory_space<hbm>> -> memref<16x1024xf32, #tpu.memory_space<hbm>>
    %dma_start3A_150 = tpu.memref_slice %arg11[%dma_start3A_147] : memref<7x!tpu.dma_semaphore, #tpu.memory_space<semaphore_mem>> -> memref<1x!tpu.dma_semaphore, #tpu.memory_space<semaphore_mem>>
    %dma_start3A_151 = tpu.memref_squeeze %dma_start3A_150 : memref<1x!tpu.dma_semaphore, #tpu.memory_space<semaphore_mem>> -> memref<!tpu.dma_semaphore, #tpu.memory_space<semaphore_mem>>
    %dma_start3A_152 = arith.constant 0 : i32
    %dma_start3A_153 = tpu.memref_slice %arg2[%add3A_146, %dma_start3A_152] : memref<8192x1024xf32, #tpu.memory_space<hbm>> -> memref<16x1024xf32, #tpu.memory_space<hbm>>
    tpu.enqueue_dma source(%dma_start3A_153 : memref<16x1024xf32, #tpu.memory_space<hbm>>) target(%arg10 : memref<16x1024xf32, #tpu.memory_space<vmem>>) target_semaphore(%dma_start3A_151 : memref<!tpu.dma_semaphore, #tpu.memory_space<semaphore_mem>>)
    %add3A_154 = arith.constant 80 : i32
    %add3A_155 = arith.addi %mul3A_2, %add3A_154 : i32
    %dma_wait3A_156 = arith.constant 5 : i32
    %dma_wait3A_157 = arith.constant 0 : i32
    %dma_wait3A_158 = tpu.memref_slice %arg2[%add3A_155, %dma_wait3A_157] : memref<8192x1024xf32, #tpu.memory_space<hbm>> -> memref<16x1024xf32, #tpu.memory_space<hbm>>
    %dma_wait3A_159 = tpu.memref_slice %arg11[%dma_wait3A_156] : memref<7x!tpu.dma_semaphore, #tpu.memory_space<semaphore_mem>> -> memref<1x!tpu.dma_semaphore, #tpu.memory_space<semaphore_mem>>
    %dma_wait3A_160 = tpu.memref_squeeze %dma_wait3A_159 : memref<1x!tpu.dma_semaphore, #tpu.memory_space<semaphore_mem>> -> memref<!tpu.dma_semaphore, #tpu.memory_space<semaphore_mem>>
    %dma_wait3A_161 = arith.constant 0 : i32
    %dma_wait3A_162 = tpu.memref_slice %arg2[%add3A_155, %dma_wait3A_161] : memref<8192x1024xf32, #tpu.memory_space<hbm>> -> memref<16x1024xf32, #tpu.memory_space<hbm>>
    tpu.wait_dma2 semaphore(%dma_wait3A_160 : memref<!tpu.dma_semaphore, #tpu.memory_space<semaphore_mem>>) src(%dma_wait3A_162 : memref<16x1024xf32, #tpu.memory_space<hbm>>) dst(%arg9 : memref<16x1024xf32, #tpu.memory_space<vmem>>)
    %add3A_163 = arith.constant 80 : i32
    %add3A_164 = arith.addi %mul3A_2, %add3A_163 : i32
    %dma_start3A_165 = arith.constant 5 : i32
    %dma_start3A_166 = arith.constant 0 : i32
    %dma_start3A_167 = tpu.memref_slice %arg3[%add3A_164, %dma_start3A_166] : memref<8192x1024xf32, #tpu.memory_space<hbm>> -> memref<16x1024xf32, #tpu.memory_space<hbm>>
    %dma_start3A_168 = tpu.memref_slice %arg12[%dma_start3A_165] : memref<7x!tpu.dma_semaphore, #tpu.memory_space<semaphore_mem>> -> memref<1x!tpu.dma_semaphore, #tpu.memory_space<semaphore_mem>>
    %dma_start3A_169 = tpu.memref_squeeze %dma_start3A_168 : memref<1x!tpu.dma_semaphore, #tpu.memory_space<semaphore_mem>> -> memref<!tpu.dma_semaphore, #tpu.memory_space<semaphore_mem>>
    %dma_start3A_170 = arith.constant 0 : i32
    %dma_start3A_171 = tpu.memref_slice %arg3[%add3A_164, %dma_start3A_170] : memref<8192x1024xf32, #tpu.memory_space<hbm>> -> memref<16x1024xf32, #tpu.memory_space<hbm>>
    tpu.enqueue_dma source(%arg9 : memref<16x1024xf32, #tpu.memory_space<vmem>>) target(%dma_start3A_171 : memref<16x1024xf32, #tpu.memory_space<hbm>>) target_semaphore(%dma_start3A_169 : memref<!tpu.dma_semaphore, #tpu.memory_space<semaphore_mem>>)
    %add3A_172 = arith.constant 0 : i32
    %add3A_173 = arith.addi %mul3A_2, %add3A_172 : i32
    %dma_wait3A_174 = arith.constant 0 : i32
    %dma_wait3A_175 = arith.constant 0 : i32
    %dma_wait3A_176 = tpu.memref_slice %arg3[%add3A_173, %dma_wait3A_175] : memref<8192x1024xf32, #tpu.memory_space<hbm>> -> memref<16x1024xf32, #tpu.memory_space<hbm>>
    %dma_wait3A_177 = tpu.memref_slice %arg12[%dma_wait3A_174] : memref<7x!tpu.dma_semaphore, #tpu.memory_space<semaphore_mem>> -> memref<1x!tpu.dma_semaphore, #tpu.memory_space<semaphore_mem>>
    %dma_wait3A_178 = tpu.memref_squeeze %dma_wait3A_177 : memref<1x!tpu.dma_semaphore, #tpu.memory_space<semaphore_mem>> -> memref<!tpu.dma_semaphore, #tpu.memory_space<semaphore_mem>>
    %dma_wait3A_179 = arith.constant 0 : i32
    %dma_wait3A_180 = tpu.memref_slice %arg3[%add3A_173, %dma_wait3A_179] : memref<8192x1024xf32, #tpu.memory_space<hbm>> -> memref<16x1024xf32, #tpu.memory_space<hbm>>
    tpu.wait_dma2 semaphore(%dma_wait3A_178 : memref<!tpu.dma_semaphore, #tpu.memory_space<semaphore_mem>>) src(%arg4 : memref<16x1024xf32, #tpu.memory_space<vmem>>) dst(%dma_wait3A_180 : memref<16x1024xf32, #tpu.memory_space<hbm>>)
    %add3A_181 = arith.constant 112 : i32
    %add3A_182 = arith.addi %mul3A_2, %add3A_181 : i32
    %dma_start3A_183 = arith.constant 0 : i32
    %dma_start3A_184 = arith.constant 0 : i32
    %dma_start3A_185 = tpu.memref_slice %arg2[%add3A_182, %dma_start3A_184] : memref<8192x1024xf32, #tpu.memory_space<hbm>> -> memref<16x1024xf32, #tpu.memory_space<hbm>>
    %dma_start3A_186 = tpu.memref_slice %arg11[%dma_start3A_183] : memref<7x!tpu.dma_semaphore, #tpu.memory_space<semaphore_mem>> -> memref<1x!tpu.dma_semaphore, #tpu.memory_space<semaphore_mem>>
    %dma_start3A_187 = tpu.memref_squeeze %dma_start3A_186 : memref<1x!tpu.dma_semaphore, #tpu.memory_space<semaphore_mem>> -> memref<!tpu.dma_semaphore, #tpu.memory_space<semaphore_mem>>
    %dma_start3A_188 = arith.constant 0 : i32
    %dma_start3A_189 = tpu.memref_slice %arg2[%add3A_182, %dma_start3A_188] : memref<8192x1024xf32, #tpu.memory_space<hbm>> -> memref<16x1024xf32, #tpu.memory_space<hbm>>
    tpu.enqueue_dma source(%dma_start3A_189 : memref<16x1024xf32, #tpu.memory_space<hbm>>) target(%arg4 : memref<16x1024xf32, #tpu.memory_space<vmem>>) target_semaphore(%dma_start3A_187 : memref<!tpu.dma_semaphore, #tpu.memory_space<semaphore_mem>>)
    %add3A_190 = arith.constant 96 : i32
    %add3A_191 = arith.addi %mul3A_2, %add3A_190 : i32
    %dma_wait3A_192 = arith.constant 6 : i32
    %dma_wait3A_193 = arith.constant 0 : i32
    %dma_wait3A_194 = tpu.memref_slice %arg2[%add3A_191, %dma_wait3A_193] : memref<8192x1024xf32, #tpu.memory_space<hbm>> -> memref<16x1024xf32, #tpu.memory_space<hbm>>
    %dma_wait3A_195 = tpu.memref_slice %arg11[%dma_wait3A_192] : memref<7x!tpu.dma_semaphore, #tpu.memory_space<semaphore_mem>> -> memref<1x!tpu.dma_semaphore, #tpu.memory_space<semaphore_mem>>
    %dma_wait3A_196 = tpu.memref_squeeze %dma_wait3A_195 : memref<1x!tpu.dma_semaphore, #tpu.memory_space<semaphore_mem>> -> memref<!tpu.dma_semaphore, #tpu.memory_space<semaphore_mem>>
    %dma_wait3A_197 = arith.constant 0 : i32
    %dma_wait3A_198 = tpu.memref_slice %arg2[%add3A_191, %dma_wait3A_197] : memref<8192x1024xf32, #tpu.memory_space<hbm>> -> memref<16x1024xf32, #tpu.memory_space<hbm>>
    tpu.wait_dma2 semaphore(%dma_wait3A_196 : memref<!tpu.dma_semaphore, #tpu.memory_space<semaphore_mem>>) src(%dma_wait3A_198 : memref<16x1024xf32, #tpu.memory_space<hbm>>) dst(%arg10 : memref<16x1024xf32, #tpu.memory_space<vmem>>)
    %add3A_199 = arith.constant 96 : i32
    %add3A_200 = arith.addi %mul3A_2, %add3A_199 : i32
    %dma_start3A_201 = arith.constant 6 : i32
    %dma_start3A_202 = arith.constant 0 : i32
    %dma_start3A_203 = tpu.memref_slice %arg3[%add3A_200, %dma_start3A_202] : memref<8192x1024xf32, #tpu.memory_space<hbm>> -> memref<16x1024xf32, #tpu.memory_space<hbm>>
    %dma_start3A_204 = tpu.memref_slice %arg12[%dma_start3A_201] : memref<7x!tpu.dma_semaphore, #tpu.memory_space<semaphore_mem>> -> memref<1x!tpu.dma_semaphore, #tpu.memory_space<semaphore_mem>>
    %dma_start3A_205 = tpu.memref_squeeze %dma_start3A_204 : memref<1x!tpu.dma_semaphore, #tpu.memory_space<semaphore_mem>> -> memref<!tpu.dma_semaphore, #tpu.memory_space<semaphore_mem>>
    %dma_start3A_206 = arith.constant 0 : i32
    %dma_start3A_207 = tpu.memref_slice %arg3[%add3A_200, %dma_start3A_206] : memref<8192x1024xf32, #tpu.memory_space<hbm>> -> memref<16x1024xf32, #tpu.memory_space<hbm>>
    tpu.enqueue_dma source(%arg10 : memref<16x1024xf32, #tpu.memory_space<vmem>>) target(%dma_start3A_207 : memref<16x1024xf32, #tpu.memory_space<hbm>>) target_semaphore(%dma_start3A_205 : memref<!tpu.dma_semaphore, #tpu.memory_space<semaphore_mem>>)
    %add3A_208 = arith.constant 16 : i32
    %add3A_209 = arith.addi %mul3A_2, %add3A_208 : i32
    %dma_wait3A_210 = arith.constant 1 : i32
    %dma_wait3A_211 = arith.constant 0 : i32
    %dma_wait3A_212 = tpu.memref_slice %arg3[%add3A_209, %dma_wait3A_211] : memref<8192x1024xf32, #tpu.memory_space<hbm>> -> memref<16x1024xf32, #tpu.memory_space<hbm>>
    %dma_wait3A_213 = tpu.memref_slice %arg12[%dma_wait3A_210] : memref<7x!tpu.dma_semaphore, #tpu.memory_space<semaphore_mem>> -> memref<1x!tpu.dma_semaphore, #tpu.memory_space<semaphore_mem>>
    %dma_wait3A_214 = tpu.memref_squeeze %dma_wait3A_213 : memref<1x!tpu.dma_semaphore, #tpu.memory_space<semaphore_mem>> -> memref<!tpu.dma_semaphore, #tpu.memory_space<semaphore_mem>>
    %dma_wait3A_215 = arith.constant 0 : i32
    %dma_wait3A_216 = tpu.memref_slice %arg3[%add3A_209, %dma_wait3A_215] : memref<8192x1024xf32, #tpu.memory_space<hbm>> -> memref<16x1024xf32, #tpu.memory_space<hbm>>
    tpu.wait_dma2 semaphore(%dma_wait3A_214 : memref<!tpu.dma_semaphore, #tpu.memory_space<semaphore_mem>>) src(%arg5 : memref<16x1024xf32, #tpu.memory_space<vmem>>) dst(%dma_wait3A_216 : memref<16x1024xf32, #tpu.memory_space<hbm>>)
    %add3A_217 = arith.constant 128 : i32
    %add3A_218 = arith.addi %mul3A_2, %add3A_217 : i32
    %dma_start3A_219 = arith.constant 1 : i32
    %dma_start3A_220 = arith.constant 0 : i32
    %dma_start3A_221 = tpu.memref_slice %arg2[%add3A_218, %dma_start3A_220] : memref<8192x1024xf32, #tpu.memory_space<hbm>> -> memref<16x1024xf32, #tpu.memory_space<hbm>>
    %dma_start3A_222 = tpu.memref_slice %arg11[%dma_start3A_219] : memref<7x!tpu.dma_semaphore, #tpu.memory_space<semaphore_mem>> -> memref<1x!tpu.dma_semaphore, #tpu.memory_space<semaphore_mem>>
    %dma_start3A_223 = tpu.memref_squeeze %dma_start3A_222 : memref<1x!tpu.dma_semaphore, #tpu.memory_space<semaphore_mem>> -> memref<!tpu.dma_semaphore, #tpu.memory_space<semaphore_mem>>
    %dma_start3A_224 = arith.constant 0 : i32
    %dma_start3A_225 = tpu.memref_slice %arg2[%add3A_218, %dma_start3A_224] : memref<8192x1024xf32, #tpu.memory_space<hbm>> -> memref<16x1024xf32, #tpu.memory_space<hbm>>
    tpu.enqueue_dma source(%dma_start3A_225 : memref<16x1024xf32, #tpu.memory_space<hbm>>) target(%arg5 : memref<16x1024xf32, #tpu.memory_space<vmem>>) target_semaphore(%dma_start3A_223 : memref<!tpu.dma_semaphore, #tpu.memory_space<semaphore_mem>>)
    %add3A_226 = arith.constant 112 : i32
    %add3A_227 = arith.addi %mul3A_2, %add3A_226 : i32
    %dma_wait3A_228 = arith.constant 0 : i32
    %dma_wait3A_229 = arith.constant 0 : i32
    %dma_wait3A_230 = tpu.memref_slice %arg2[%add3A_227, %dma_wait3A_229] : memref<8192x1024xf32, #tpu.memory_space<hbm>> -> memref<16x1024xf32, #tpu.memory_space<hbm>>
    %dma_wait3A_231 = tpu.memref_slice %arg11[%dma_wait3A_228] : memref<7x!tpu.dma_semaphore, #tpu.memory_space<semaphore_mem>> -> memref<1x!tpu.dma_semaphore, #tpu.memory_space<semaphore_mem>>
    %dma_wait3A_232 = tpu.memref_squeeze %dma_wait3A_231 : memref<1x!tpu.dma_semaphore, #tpu.memory_space<semaphore_mem>> -> memref<!tpu.dma_semaphore, #tpu.memory_space<semaphore_mem>>
    %dma_wait3A_233 = arith.constant 0 : i32
    %dma_wait3A_234 = tpu.memref_slice %arg2[%add3A_227, %dma_wait3A_233] : memref<8192x1024xf32, #tpu.memory_space<hbm>> -> memref<16x1024xf32, #tpu.memory_space<hbm>>
    tpu.wait_dma2 semaphore(%dma_wait3A_232 : memref<!tpu.dma_semaphore, #tpu.memory_space<semaphore_mem>>) src(%dma_wait3A_234 : memref<16x1024xf32, #tpu.memory_space<hbm>>) dst(%arg4 : memref<16x1024xf32, #tpu.memory_space<vmem>>)
    %add3A_235 = arith.constant 112 : i32
    %add3A_236 = arith.addi %mul3A_2, %add3A_235 : i32
    %dma_start3A_237 = arith.constant 0 : i32
    %dma_start3A_238 = arith.constant 0 : i32
    %dma_start3A_239 = tpu.memref_slice %arg3[%add3A_236, %dma_start3A_238] : memref<8192x1024xf32, #tpu.memory_space<hbm>> -> memref<16x1024xf32, #tpu.memory_space<hbm>>
    %dma_start3A_240 = tpu.memref_slice %arg12[%dma_start3A_237] : memref<7x!tpu.dma_semaphore, #tpu.memory_space<semaphore_mem>> -> memref<1x!tpu.dma_semaphore, #tpu.memory_space<semaphore_mem>>
    %dma_start3A_241 = tpu.memref_squeeze %dma_start3A_240 : memref<1x!tpu.dma_semaphore, #tpu.memory_space<semaphore_mem>> -> memref<!tpu.dma_semaphore, #tpu.memory_space<semaphore_mem>>
    %dma_start3A_242 = arith.constant 0 : i32
    %dma_start3A_243 = tpu.memref_slice %arg3[%add3A_236, %dma_start3A_242] : memref<8192x1024xf32, #tpu.memory_space<hbm>> -> memref<16x1024xf32, #tpu.memory_space<hbm>>
    tpu.enqueue_dma source(%arg4 : memref<16x1024xf32, #tpu.memory_space<vmem>>) target(%dma_start3A_243 : memref<16x1024xf32, #tpu.memory_space<hbm>>) target_semaphore(%dma_start3A_241 : memref<!tpu.dma_semaphore, #tpu.memory_space<semaphore_mem>>)
    %add3A_244 = arith.constant 32 : i32
    %add3A_245 = arith.addi %mul3A_2, %add3A_244 : i32
    %dma_wait3A_246 = arith.constant 2 : i32
    %dma_wait3A_247 = arith.constant 0 : i32
    %dma_wait3A_248 = tpu.memref_slice %arg3[%add3A_245, %dma_wait3A_247] : memref<8192x1024xf32, #tpu.memory_space<hbm>> -> memref<16x1024xf32, #tpu.memory_space<hbm>>
    %dma_wait3A_249 = tpu.memref_slice %arg12[%dma_wait3A_246] : memref<7x!tpu.dma_semaphore, #tpu.memory_space<semaphore_mem>> -> memref<1x!tpu.dma_semaphore, #tpu.memory_space<semaphore_mem>>
    %dma_wait3A_250 = tpu.memref_squeeze %dma_wait3A_249 : memref<1x!tpu.dma_semaphore, #tpu.memory_space<semaphore_mem>> -> memref<!tpu.dma_semaphore, #tpu.memory_space<semaphore_mem>>
    %dma_wait3A_251 = arith.constant 0 : i32
    %dma_wait3A_252 = tpu.memref_slice %arg3[%add3A_245, %dma_wait3A_251] : memref<8192x1024xf32, #tpu.memory_space<hbm>> -> memref<16x1024xf32, #tpu.memory_space<hbm>>
    tpu.wait_dma2 semaphore(%dma_wait3A_250 : memref<!tpu.dma_semaphore, #tpu.memory_space<semaphore_mem>>) src(%arg6 : memref<16x1024xf32, #tpu.memory_space<vmem>>) dst(%dma_wait3A_252 : memref<16x1024xf32, #tpu.memory_space<hbm>>)
    %add3A_253 = arith.constant 144 : i32
    %add3A_254 = arith.addi %mul3A_2, %add3A_253 : i32
    %dma_start3A_255 = arith.constant 2 : i32
    %dma_start3A_256 = arith.constant 0 : i32
    %dma_start3A_257 = tpu.memref_slice %arg2[%add3A_254, %dma_start3A_256] : memref<8192x1024xf32, #tpu.memory_space<hbm>> -> memref<16x1024xf32, #tpu.memory_space<hbm>>
    %dma_start3A_258 = tpu.memref_slice %arg11[%dma_start3A_255] : memref<7x!tpu.dma_semaphore, #tpu.memory_space<semaphore_mem>> -> memref<1x!tpu.dma_semaphore, #tpu.memory_space<semaphore_mem>>
    %dma_start3A_259 = tpu.memref_squeeze %dma_start3A_258 : memref<1x!tpu.dma_semaphore, #tpu.memory_space<semaphore_mem>> -> memref<!tpu.dma_semaphore, #tpu.memory_space<semaphore_mem>>
    %dma_start3A_260 = arith.constant 0 : i32
    %dma_start3A_261 = tpu.memref_slice %arg2[%add3A_254, %dma_start3A_260] : memref<8192x1024xf32, #tpu.memory_space<hbm>> -> memref<16x1024xf32, #tpu.memory_space<hbm>>
    tpu.enqueue_dma source(%dma_start3A_261 : memref<16x1024xf32, #tpu.memory_space<hbm>>) target(%arg6 : memref<16x1024xf32, #tpu.memory_space<vmem>>) target_semaphore(%dma_start3A_259 : memref<!tpu.dma_semaphore, #tpu.memory_space<semaphore_mem>>)
    %add3A_262 = arith.constant 128 : i32
    %add3A_263 = arith.addi %mul3A_2, %add3A_262 : i32
    %dma_wait3A_264 = arith.constant 1 : i32
    %dma_wait3A_265 = arith.constant 0 : i32
    %dma_wait3A_266 = tpu.memref_slice %arg2[%add3A_263, %dma_wait3A_265] : memref<8192x1024xf32, #tpu.memory_space<hbm>> -> memref<16x1024xf32, #tpu.memory_space<hbm>>
    %dma_wait3A_267 = tpu.memref_slice %arg11[%dma_wait3A_264] : memref<7x!tpu.dma_semaphore, #tpu.memory_space<semaphore_mem>> -> memref<1x!tpu.dma_semaphore, #tpu.memory_space<semaphore_mem>>
    %dma_wait3A_268 = tpu.memref_squeeze %dma_wait3A_267 : memref<1x!tpu.dma_semaphore, #tpu.memory_space<semaphore_mem>> -> memref<!tpu.dma_semaphore, #tpu.memory_space<semaphore_mem>>
    %dma_wait3A_269 = arith.constant 0 : i32
    %dma_wait3A_270 = tpu.memref_slice %arg2[%add3A_263, %dma_wait3A_269] : memref<8192x1024xf32, #tpu.memory_space<hbm>> -> memref<16x1024xf32, #tpu.memory_space<hbm>>
    tpu.wait_dma2 semaphore(%dma_wait3A_268 : memref<!tpu.dma_semaphore, #tpu.memory_space<semaphore_mem>>) src(%dma_wait3A_270 : memref<16x1024xf32, #tpu.memory_space<hbm>>) dst(%arg5 : memref<16x1024xf32, #tpu.memory_space<vmem>>)
    %add3A_271 = arith.constant 128 : i32
    %add3A_272 = arith.addi %mul3A_2, %add3A_271 : i32
    %dma_start3A_273 = arith.constant 1 : i32
    %dma_start3A_274 = arith.constant 0 : i32
    %dma_start3A_275 = tpu.memref_slice %arg3[%add3A_272, %dma_start3A_274] : memref<8192x1024xf32, #tpu.memory_space<hbm>> -> memref<16x1024xf32, #tpu.memory_space<hbm>>
    %dma_start3A_276 = tpu.memref_slice %arg12[%dma_start3A_273] : memref<7x!tpu.dma_semaphore, #tpu.memory_space<semaphore_mem>> -> memref<1x!tpu.dma_semaphore, #tpu.memory_space<semaphore_mem>>
    %dma_start3A_277 = tpu.memref_squeeze %dma_start3A_276 : memref<1x!tpu.dma_semaphore, #tpu.memory_space<semaphore_mem>> -> memref<!tpu.dma_semaphore, #tpu.memory_space<semaphore_mem>>
    %dma_start3A_278 = arith.constant 0 : i32
    %dma_start3A_279 = tpu.memref_slice %arg3[%add3A_272, %dma_start3A_278] : memref<8192x1024xf32, #tpu.memory_space<hbm>> -> memref<16x1024xf32, #tpu.memory_space<hbm>>
    tpu.enqueue_dma source(%arg5 : memref<16x1024xf32, #tpu.memory_space<vmem>>) target(%dma_start3A_279 : memref<16x1024xf32, #tpu.memory_space<hbm>>) target_semaphore(%dma_start3A_277 : memref<!tpu.dma_semaphore, #tpu.memory_space<semaphore_mem>>)
    %add3A_280 = arith.constant 48 : i32
    %add3A_281 = arith.addi %mul3A_2, %add3A_280 : i32
    %dma_wait3A_282 = arith.constant 3 : i32
    %dma_wait3A_283 = arith.constant 0 : i32
    %dma_wait3A_284 = tpu.memref_slice %arg3[%add3A_281, %dma_wait3A_283] : memref<8192x1024xf32, #tpu.memory_space<hbm>> -> memref<16x1024xf32, #tpu.memory_space<hbm>>
    %dma_wait3A_285 = tpu.memref_slice %arg12[%dma_wait3A_282] : memref<7x!tpu.dma_semaphore, #tpu.memory_space<semaphore_mem>> -> memref<1x!tpu.dma_semaphore, #tpu.memory_space<semaphore_mem>>
    %dma_wait3A_286 = tpu.memref_squeeze %dma_wait3A_285 : memref<1x!tpu.dma_semaphore, #tpu.memory_space<semaphore_mem>> -> memref<!tpu.dma_semaphore, #tpu.memory_space<semaphore_mem>>
    %dma_wait3A_287 = arith.constant 0 : i32
    %dma_wait3A_288 = tpu.memref_slice %arg3[%add3A_281, %dma_wait3A_287] : memref<8192x1024xf32, #tpu.memory_space<hbm>> -> memref<16x1024xf32, #tpu.memory_space<hbm>>
    tpu.wait_dma2 semaphore(%dma_wait3A_286 : memref<!tpu.dma_semaphore, #tpu.memory_space<semaphore_mem>>) src(%arg7 : memref<16x1024xf32, #tpu.memory_space<vmem>>) dst(%dma_wait3A_288 : memref<16x1024xf32, #tpu.memory_space<hbm>>)
    %add3A_289 = arith.constant 160 : i32
    %add3A_290 = arith.addi %mul3A_2, %add3A_289 : i32
    %dma_start3A_291 = arith.constant 3 : i32
    %dma_start3A_292 = arith.constant 0 : i32
    %dma_start3A_293 = tpu.memref_slice %arg2[%add3A_290, %dma_start3A_292] : memref<8192x1024xf32, #tpu.memory_space<hbm>> -> memref<16x1024xf32, #tpu.memory_space<hbm>>
    %dma_start3A_294 = tpu.memref_slice %arg11[%dma_start3A_291] : memref<7x!tpu.dma_semaphore, #tpu.memory_space<semaphore_mem>> -> memref<1x!tpu.dma_semaphore, #tpu.memory_space<semaphore_mem>>
    %dma_start3A_295 = tpu.memref_squeeze %dma_start3A_294 : memref<1x!tpu.dma_semaphore, #tpu.memory_space<semaphore_mem>> -> memref<!tpu.dma_semaphore, #tpu.memory_space<semaphore_mem>>
    %dma_start3A_296 = arith.constant 0 : i32
    %dma_start3A_297 = tpu.memref_slice %arg2[%add3A_290, %dma_start3A_296] : memref<8192x1024xf32, #tpu.memory_space<hbm>> -> memref<16x1024xf32, #tpu.memory_space<hbm>>
    tpu.enqueue_dma source(%dma_start3A_297 : memref<16x1024xf32, #tpu.memory_space<hbm>>) target(%arg7 : memref<16x1024xf32, #tpu.memory_space<vmem>>) target_semaphore(%dma_start3A_295 : memref<!tpu.dma_semaphore, #tpu.memory_space<semaphore_mem>>)
    %add3A_298 = arith.constant 144 : i32
    %add3A_299 = arith.addi %mul3A_2, %add3A_298 : i32
    %dma_wait3A_300 = arith.constant 2 : i32
    %dma_wait3A_301 = arith.constant 0 : i32
    %dma_wait3A_302 = tpu.memref_slice %arg2[%add3A_299, %dma_wait3A_301] : memref<8192x1024xf32, #tpu.memory_space<hbm>> -> memref<16x1024xf32, #tpu.memory_space<hbm>>
    %dma_wait3A_303 = tpu.memref_slice %arg11[%dma_wait3A_300] : memref<7x!tpu.dma_semaphore, #tpu.memory_space<semaphore_mem>> -> memref<1x!tpu.dma_semaphore, #tpu.memory_space<semaphore_mem>>
    %dma_wait3A_304 = tpu.memref_squeeze %dma_wait3A_303 : memref<1x!tpu.dma_semaphore, #tpu.memory_space<semaphore_mem>> -> memref<!tpu.dma_semaphore, #tpu.memory_space<semaphore_mem>>
    %dma_wait3A_305 = arith.constant 0 : i32
    %dma_wait3A_306 = tpu.memref_slice %arg2[%add3A_299, %dma_wait3A_305] : memref<8192x1024xf32, #tpu.memory_space<hbm>> -> memref<16x1024xf32, #tpu.memory_space<hbm>>
    tpu.wait_dma2 semaphore(%dma_wait3A_304 : memref<!tpu.dma_semaphore, #tpu.memory_space<semaphore_mem>>) src(%dma_wait3A_306 : memref<16x1024xf32, #tpu.memory_space<hbm>>) dst(%arg6 : memref<16x1024xf32, #tpu.memory_space<vmem>>)
    %add3A_307 = arith.constant 144 : i32
    %add3A_308 = arith.addi %mul3A_2, %add3A_307 : i32
    %dma_start3A_309 = arith.constant 2 : i32
    %dma_start3A_310 = arith.constant 0 : i32
    %dma_start3A_311 = tpu.memref_slice %arg3[%add3A_308, %dma_start3A_310] : memref<8192x1024xf32, #tpu.memory_space<hbm>> -> memref<16x1024xf32, #tpu.memory_space<hbm>>
    %dma_start3A_312 = tpu.memref_slice %arg12[%dma_start3A_309] : memref<7x!tpu.dma_semaphore, #tpu.memory_space<semaphore_mem>> -> memref<1x!tpu.dma_semaphore, #tpu.memory_space<semaphore_mem>>
    %dma_start3A_313 = tpu.memref_squeeze %dma_start3A_312 : memref<1x!tpu.dma_semaphore, #tpu.memory_space<semaphore_mem>> -> memref<!tpu.dma_semaphore, #tpu.memory_space<semaphore_mem>>
    %dma_start3A_314 = arith.constant 0 : i32
    %dma_start3A_315 = tpu.memref_slice %arg3[%add3A_308, %dma_start3A_314] : memref<8192x1024xf32, #tpu.memory_space<hbm>> -> memref<16x1024xf32, #tpu.memory_space<hbm>>
    tpu.enqueue_dma source(%arg6 : memref<16x1024xf32, #tpu.memory_space<vmem>>) target(%dma_start3A_315 : memref<16x1024xf32, #tpu.memory_space<hbm>>) target_semaphore(%dma_start3A_313 : memref<!tpu.dma_semaphore, #tpu.memory_space<semaphore_mem>>)
    %add3A_316 = arith.constant 64 : i32
    %add3A_317 = arith.addi %mul3A_2, %add3A_316 : i32
    %dma_wait3A_318 = arith.constant 4 : i32
    %dma_wait3A_319 = arith.constant 0 : i32
    %dma_wait3A_320 = tpu.memref_slice %arg3[%add3A_317, %dma_wait3A_319] : memref<8192x1024xf32, #tpu.memory_space<hbm>> -> memref<16x1024xf32, #tpu.memory_space<hbm>>
    %dma_wait3A_321 = tpu.memref_slice %arg12[%dma_wait3A_318] : memref<7x!tpu.dma_semaphore, #tpu.memory_space<semaphore_mem>> -> memref<1x!tpu.dma_semaphore, #tpu.memory_space<semaphore_mem>>
    %dma_wait3A_322 = tpu.memref_squeeze %dma_wait3A_321 : memref<1x!tpu.dma_semaphore, #tpu.memory_space<semaphore_mem>> -> memref<!tpu.dma_semaphore, #tpu.memory_space<semaphore_mem>>
    %dma_wait3A_323 = arith.constant 0 : i32
    %dma_wait3A_324 = tpu.memref_slice %arg3[%add3A_317, %dma_wait3A_323] : memref<8192x1024xf32, #tpu.memory_space<hbm>> -> memref<16x1024xf32, #tpu.memory_space<hbm>>
    tpu.wait_dma2 semaphore(%dma_wait3A_322 : memref<!tpu.dma_semaphore, #tpu.memory_space<semaphore_mem>>) src(%arg8 : memref<16x1024xf32, #tpu.memory_space<vmem>>) dst(%dma_wait3A_324 : memref<16x1024xf32, #tpu.memory_space<hbm>>)
    %add3A_325 = arith.constant 176 : i32
    %add3A_326 = arith.addi %mul3A_2, %add3A_325 : i32
    %dma_start3A_327 = arith.constant 4 : i32
    %dma_start3A_328 = arith.constant 0 : i32
    %dma_start3A_329 = tpu.memref_slice %arg2[%add3A_326, %dma_start3A_328] : memref<8192x1024xf32, #tpu.memory_space<hbm>> -> memref<16x1024xf32, #tpu.memory_space<hbm>>
    %dma_start3A_330 = tpu.memref_slice %arg11[%dma_start3A_327] : memref<7x!tpu.dma_semaphore, #tpu.memory_space<semaphore_mem>> -> memref<1x!tpu.dma_semaphore, #tpu.memory_space<semaphore_mem>>
    %dma_start3A_331 = tpu.memref_squeeze %dma_start3A_330 : memref<1x!tpu.dma_semaphore, #tpu.memory_space<semaphore_mem>> -> memref<!tpu.dma_semaphore, #tpu.memory_space<semaphore_mem>>
    %dma_start3A_332 = arith.constant 0 : i32
    %dma_start3A_333 = tpu.memref_slice %arg2[%add3A_326, %dma_start3A_332] : memref<8192x1024xf32, #tpu.memory_space<hbm>> -> memref<16x1024xf32, #tpu.memory_space<hbm>>
    tpu.enqueue_dma source(%dma_start3A_333 : memref<16x1024xf32, #tpu.memory_space<hbm>>) target(%arg8 : memref<16x1024xf32, #tpu.memory_space<vmem>>) target_semaphore(%dma_start3A_331 : memref<!tpu.dma_semaphore, #tpu.memory_space<semaphore_mem>>)
    %add3A_334 = arith.constant 160 : i32
    %add3A_335 = arith.addi %mul3A_2, %add3A_334 : i32
    %dma_wait3A_336 = arith.constant 3 : i32
    %dma_wait3A_337 = arith.constant 0 : i32
    %dma_wait3A_338 = tpu.memref_slice %arg2[%add3A_335, %dma_wait3A_337] : memref<8192x1024xf32, #tpu.memory_space<hbm>> -> memref<16x1024xf32, #tpu.memory_space<hbm>>
    %dma_wait3A_339 = tpu.memref_slice %arg11[%dma_wait3A_336] : memref<7x!tpu.dma_semaphore, #tpu.memory_space<semaphore_mem>> -> memref<1x!tpu.dma_semaphore, #tpu.memory_space<semaphore_mem>>
    %dma_wait3A_340 = tpu.memref_squeeze %dma_wait3A_339 : memref<1x!tpu.dma_semaphore, #tpu.memory_space<semaphore_mem>> -> memref<!tpu.dma_semaphore, #tpu.memory_space<semaphore_mem>>
    %dma_wait3A_341 = arith.constant 0 : i32
    %dma_wait3A_342 = tpu.memref_slice %arg2[%add3A_335, %dma_wait3A_341] : memref<8192x1024xf32, #tpu.memory_space<hbm>> -> memref<16x1024xf32, #tpu.memory_space<hbm>>
    tpu.wait_dma2 semaphore(%dma_wait3A_340 : memref<!tpu.dma_semaphore, #tpu.memory_space<semaphore_mem>>) src(%dma_wait3A_342 : memref<16x1024xf32, #tpu.memory_space<hbm>>) dst(%arg7 : memref<16x1024xf32, #tpu.memory_space<vmem>>)
    %add3A_343 = arith.constant 160 : i32
    %add3A_344 = arith.addi %mul3A_2, %add3A_343 : i32
    %dma_start3A_345 = arith.constant 3 : i32
    %dma_start3A_346 = arith.constant 0 : i32
    %dma_start3A_347 = tpu.memref_slice %arg3[%add3A_344, %dma_start3A_346] : memref<8192x1024xf32, #tpu.memory_space<hbm>> -> memref<16x1024xf32, #tpu.memory_space<hbm>>
    %dma_start3A_348 = tpu.memref_slice %arg12[%dma_start3A_345] : memref<7x!tpu.dma_semaphore, #tpu.memory_space<semaphore_mem>> -> memref<1x!tpu.dma_semaphore, #tpu.memory_space<semaphore_mem>>
    %dma_start3A_349 = tpu.memref_squeeze %dma_start3A_348 : memref<1x!tpu.dma_semaphore, #tpu.memory_space<semaphore_mem>> -> memref<!tpu.dma_semaphore, #tpu.memory_space<semaphore_mem>>
    %dma_start3A_350 = arith.constant 0 : i32
    %dma_start3A_351 = tpu.memref_slice %arg3[%add3A_344, %dma_start3A_350] : memref<8192x1024xf32, #tpu.memory_space<hbm>> -> memref<16x1024xf32, #tpu.memory_space<hbm>>
    tpu.enqueue_dma source(%arg7 : memref<16x1024xf32, #tpu.memory_space<vmem>>) target(%dma_start3A_351 : memref<16x1024xf32, #tpu.memory_space<hbm>>) target_semaphore(%dma_start3A_349 : memref<!tpu.dma_semaphore, #tpu.memory_space<semaphore_mem>>)
    %add3A_352 = arith.constant 80 : i32
    %add3A_353 = arith.addi %mul3A_2, %add3A_352 : i32
    %dma_wait3A_354 = arith.constant 5 : i32
    %dma_wait3A_355 = arith.constant 0 : i32
    %dma_wait3A_356 = tpu.memref_slice %arg3[%add3A_353, %dma_wait3A_355] : memref<8192x1024xf32, #tpu.memory_space<hbm>> -> memref<16x1024xf32, #tpu.memory_space<hbm>>
    %dma_wait3A_357 = tpu.memref_slice %arg12[%dma_wait3A_354] : memref<7x!tpu.dma_semaphore, #tpu.memory_space<semaphore_mem>> -> memref<1x!tpu.dma_semaphore, #tpu.memory_space<semaphore_mem>>
    %dma_wait3A_358 = tpu.memref_squeeze %dma_wait3A_357 : memref<1x!tpu.dma_semaphore, #tpu.memory_space<semaphore_mem>> -> memref<!tpu.dma_semaphore, #tpu.memory_space<semaphore_mem>>
    %dma_wait3A_359 = arith.constant 0 : i32
    %dma_wait3A_360 = tpu.memref_slice %arg3[%add3A_353, %dma_wait3A_359] : memref<8192x1024xf32, #tpu.memory_space<hbm>> -> memref<16x1024xf32, #tpu.memory_space<hbm>>
    tpu.wait_dma2 semaphore(%dma_wait3A_358 : memref<!tpu.dma_semaphore, #tpu.memory_space<semaphore_mem>>) src(%arg9 : memref<16x1024xf32, #tpu.memory_space<vmem>>) dst(%dma_wait3A_360 : memref<16x1024xf32, #tpu.memory_space<hbm>>)
    %add3A_361 = arith.constant 192 : i32
    %add3A_362 = arith.addi %mul3A_2, %add3A_361 : i32
    %dma_start3A_363 = arith.constant 5 : i32
    %dma_start3A_364 = arith.constant 0 : i32
    %dma_start3A_365 = tpu.memref_slice %arg2[%add3A_362, %dma_start3A_364] : memref<8192x1024xf32, #tpu.memory_space<hbm>> -> memref<16x1024xf32, #tpu.memory_space<hbm>>
    %dma_start3A_366 = tpu.memref_slice %arg11[%dma_start3A_363] : memref<7x!tpu.dma_semaphore, #tpu.memory_space<semaphore_mem>> -> memref<1x!tpu.dma_semaphore, #tpu.memory_space<semaphore_mem>>
    %dma_start3A_367 = tpu.memref_squeeze %dma_start3A_366 : memref<1x!tpu.dma_semaphore, #tpu.memory_space<semaphore_mem>> -> memref<!tpu.dma_semaphore, #tpu.memory_space<semaphore_mem>>
    %dma_start3A_368 = arith.constant 0 : i32
    %dma_start3A_369 = tpu.memref_slice %arg2[%add3A_362, %dma_start3A_368] : memref<8192x1024xf32, #tpu.memory_space<hbm>> -> memref<16x1024xf32, #tpu.memory_space<hbm>>
    tpu.enqueue_dma source(%dma_start3A_369 : memref<16x1024xf32, #tpu.memory_space<hbm>>) target(%arg9 : memref<16x1024xf32, #tpu.memory_space<vmem>>) target_semaphore(%dma_start3A_367 : memref<!tpu.dma_semaphore, #tpu.memory_space<semaphore_mem>>)
    %add3A_370 = arith.constant 176 : i32
    %add3A_371 = arith.addi %mul3A_2, %add3A_370 : i32
    %dma_wait3A_372 = arith.constant 4 : i32
    %dma_wait3A_373 = arith.constant 0 : i32
    %dma_wait3A_374 = tpu.memref_slice %arg2[%add3A_371, %dma_wait3A_373] : memref<8192x1024xf32, #tpu.memory_space<hbm>> -> memref<16x1024xf32, #tpu.memory_space<hbm>>
    %dma_wait3A_375 = tpu.memref_slice %arg11[%dma_wait3A_372] : memref<7x!tpu.dma_semaphore, #tpu.memory_space<semaphore_mem>> -> memref<1x!tpu.dma_semaphore, #tpu.memory_space<semaphore_mem>>
    %dma_wait3A_376 = tpu.memref_squeeze %dma_wait3A_375 : memref<1x!tpu.dma_semaphore, #tpu.memory_space<semaphore_mem>> -> memref<!tpu.dma_semaphore, #tpu.memory_space<semaphore_mem>>
    %dma_wait3A_377 = arith.constant 0 : i32
    %dma_wait3A_378 = tpu.memref_slice %arg2[%add3A_371, %dma_wait3A_377] : memref<8192x1024xf32, #tpu.memory_space<hbm>> -> memref<16x1024xf32, #tpu.memory_space<hbm>>
    tpu.wait_dma2 semaphore(%dma_wait3A_376 : memref<!tpu.dma_semaphore, #tpu.memory_space<semaphore_mem>>) src(%dma_wait3A_378 : memref<16x1024xf32, #tpu.memory_space<hbm>>) dst(%arg8 : memref<16x1024xf32, #tpu.memory_space<vmem>>)
    %add3A_379 = arith.constant 176 : i32
    %add3A_380 = arith.addi %mul3A_2, %add3A_379 : i32
    %dma_start3A_381 = arith.constant 4 : i32
    %dma_start3A_382 = arith.constant 0 : i32
    %dma_start3A_383 = tpu.memref_slice %arg3[%add3A_380, %dma_start3A_382] : memref<8192x1024xf32, #tpu.memory_space<hbm>> -> memref<16x1024xf32, #tpu.memory_space<hbm>>
    %dma_start3A_384 = tpu.memref_slice %arg12[%dma_start3A_381] : memref<7x!tpu.dma_semaphore, #tpu.memory_space<semaphore_mem>> -> memref<1x!tpu.dma_semaphore, #tpu.memory_space<semaphore_mem>>
    %dma_start3A_385 = tpu.memref_squeeze %dma_start3A_384 : memref<1x!tpu.dma_semaphore, #tpu.memory_space<semaphore_mem>> -> memref<!tpu.dma_semaphore, #tpu.memory_space<semaphore_mem>>
    %dma_start3A_386 = arith.constant 0 : i32
    %dma_start3A_387 = tpu.memref_slice %arg3[%add3A_380, %dma_start3A_386] : memref<8192x1024xf32, #tpu.memory_space<hbm>> -> memref<16x1024xf32, #tpu.memory_space<hbm>>
    tpu.enqueue_dma source(%arg8 : memref<16x1024xf32, #tpu.memory_space<vmem>>) target(%dma_start3A_387 : memref<16x1024xf32, #tpu.memory_space<hbm>>) target_semaphore(%dma_start3A_385 : memref<!tpu.dma_semaphore, #tpu.memory_space<semaphore_mem>>)
    %add3A_388 = arith.constant 96 : i32
    %add3A_389 = arith.addi %mul3A_2, %add3A_388 : i32
    %dma_wait3A_390 = arith.constant 6 : i32
    %dma_wait3A_391 = arith.constant 0 : i32
    %dma_wait3A_392 = tpu.memref_slice %arg3[%add3A_389, %dma_wait3A_391] : memref<8192x1024xf32, #tpu.memory_space<hbm>> -> memref<16x1024xf32, #tpu.memory_space<hbm>>
    %dma_wait3A_393 = tpu.memref_slice %arg12[%dma_wait3A_390] : memref<7x!tpu.dma_semaphore, #tpu.memory_space<semaphore_mem>> -> memref<1x!tpu.dma_semaphore, #tpu.memory_space<semaphore_mem>>
    %dma_wait3A_394 = tpu.memref_squeeze %dma_wait3A_393 : memref<1x!tpu.dma_semaphore, #tpu.memory_space<semaphore_mem>> -> memref<!tpu.dma_semaphore, #tpu.memory_space<semaphore_mem>>
    %dma_wait3A_395 = arith.constant 0 : i32
    %dma_wait3A_396 = tpu.memref_slice %arg3[%add3A_389, %dma_wait3A_395] : memref<8192x1024xf32, #tpu.memory_space<hbm>> -> memref<16x1024xf32, #tpu.memory_space<hbm>>
    tpu.wait_dma2 semaphore(%dma_wait3A_394 : memref<!tpu.dma_semaphore, #tpu.memory_space<semaphore_mem>>) src(%arg10 : memref<16x1024xf32, #tpu.memory_space<vmem>>) dst(%dma_wait3A_396 : memref<16x1024xf32, #tpu.memory_space<hbm>>)
    %add3A_397 = arith.constant 208 : i32
    %add3A_398 = arith.addi %mul3A_2, %add3A_397 : i32
    %dma_start3A_399 = arith.constant 6 : i32
    %dma_start3A_400 = arith.constant 0 : i32
    %dma_start3A_401 = tpu.memref_slice %arg2[%add3A_398, %dma_start3A_400] : memref<8192x1024xf32, #tpu.memory_space<hbm>> -> memref<16x1024xf32, #tpu.memory_space<hbm>>
    %dma_start3A_402 = tpu.memref_slice %arg11[%dma_start3A_399] : memref<7x!tpu.dma_semaphore, #tpu.memory_space<semaphore_mem>> -> memref<1x!tpu.dma_semaphore, #tpu.memory_space<semaphore_mem>>
    %dma_start3A_403 = tpu.memref_squeeze %dma_start3A_402 : memref<1x!tpu.dma_semaphore, #tpu.memory_space<semaphore_mem>> -> memref<!tpu.dma_semaphore, #tpu.memory_space<semaphore_mem>>
    %dma_start3A_404 = arith.constant 0 : i32
    %dma_start3A_405 = tpu.memref_slice %arg2[%add3A_398, %dma_start3A_404] : memref<8192x1024xf32, #tpu.memory_space<hbm>> -> memref<16x1024xf32, #tpu.memory_space<hbm>>
    tpu.enqueue_dma source(%dma_start3A_405 : memref<16x1024xf32, #tpu.memory_space<hbm>>) target(%arg10 : memref<16x1024xf32, #tpu.memory_space<vmem>>) target_semaphore(%dma_start3A_403 : memref<!tpu.dma_semaphore, #tpu.memory_space<semaphore_mem>>)
    %add3A_406 = arith.constant 192 : i32
    %add3A_407 = arith.addi %mul3A_2, %add3A_406 : i32
    %dma_wait3A_408 = arith.constant 5 : i32
    %dma_wait3A_409 = arith.constant 0 : i32
    %dma_wait3A_410 = tpu.memref_slice %arg2[%add3A_407, %dma_wait3A_409] : memref<8192x1024xf32, #tpu.memory_space<hbm>> -> memref<16x1024xf32, #tpu.memory_space<hbm>>
    %dma_wait3A_411 = tpu.memref_slice %arg11[%dma_wait3A_408] : memref<7x!tpu.dma_semaphore, #tpu.memory_space<semaphore_mem>> -> memref<1x!tpu.dma_semaphore, #tpu.memory_space<semaphore_mem>>
    %dma_wait3A_412 = tpu.memref_squeeze %dma_wait3A_411 : memref<1x!tpu.dma_semaphore, #tpu.memory_space<semaphore_mem>> -> memref<!tpu.dma_semaphore, #tpu.memory_space<semaphore_mem>>
    %dma_wait3A_413 = arith.constant 0 : i32
    %dma_wait3A_414 = tpu.memref_slice %arg2[%add3A_407, %dma_wait3A_413] : memref<8192x1024xf32, #tpu.memory_space<hbm>> -> memref<16x1024xf32, #tpu.memory_space<hbm>>
    tpu.wait_dma2 semaphore(%dma_wait3A_412 : memref<!tpu.dma_semaphore, #tpu.memory_space<semaphore_mem>>) src(%dma_wait3A_414 : memref<16x1024xf32, #tpu.memory_space<hbm>>) dst(%arg9 : memref<16x1024xf32, #tpu.memory_space<vmem>>)
    %add3A_415 = arith.constant 192 : i32
    %add3A_416 = arith.addi %mul3A_2, %add3A_415 : i32
    %dma_start3A_417 = arith.constant 5 : i32
    %dma_start3A_418 = arith.constant 0 : i32
    %dma_start3A_419 = tpu.memref_slice %arg3[%add3A_416, %dma_start3A_418] : memref<8192x1024xf32, #tpu.memory_space<hbm>> -> memref<16x1024xf32, #tpu.memory_space<hbm>>
    %dma_start3A_420 = tpu.memref_slice %arg12[%dma_start3A_417] : memref<7x!tpu.dma_semaphore, #tpu.memory_space<semaphore_mem>> -> memref<1x!tpu.dma_semaphore, #tpu.memory_space<semaphore_mem>>
    %dma_start3A_421 = tpu.memref_squeeze %dma_start3A_420 : memref<1x!tpu.dma_semaphore, #tpu.memory_space<semaphore_mem>> -> memref<!tpu.dma_semaphore, #tpu.memory_space<semaphore_mem>>
    %dma_start3A_422 = arith.constant 0 : i32
    %dma_start3A_423 = tpu.memref_slice %arg3[%add3A_416, %dma_start3A_422] : memref<8192x1024xf32, #tpu.memory_space<hbm>> -> memref<16x1024xf32, #tpu.memory_space<hbm>>
    tpu.enqueue_dma source(%arg9 : memref<16x1024xf32, #tpu.memory_space<vmem>>) target(%dma_start3A_423 : memref<16x1024xf32, #tpu.memory_space<hbm>>) target_semaphore(%dma_start3A_421 : memref<!tpu.dma_semaphore, #tpu.memory_space<semaphore_mem>>)
    %add3A_424 = arith.constant 112 : i32
    %add3A_425 = arith.addi %mul3A_2, %add3A_424 : i32
    %dma_wait3A_426 = arith.constant 0 : i32
    %dma_wait3A_427 = arith.constant 0 : i32
    %dma_wait3A_428 = tpu.memref_slice %arg3[%add3A_425, %dma_wait3A_427] : memref<8192x1024xf32, #tpu.memory_space<hbm>> -> memref<16x1024xf32, #tpu.memory_space<hbm>>
    %dma_wait3A_429 = tpu.memref_slice %arg12[%dma_wait3A_426] : memref<7x!tpu.dma_semaphore, #tpu.memory_space<semaphore_mem>> -> memref<1x!tpu.dma_semaphore, #tpu.memory_space<semaphore_mem>>
    %dma_wait3A_430 = tpu.memref_squeeze %dma_wait3A_429 : memref<1x!tpu.dma_semaphore, #tpu.memory_space<semaphore_mem>> -> memref<!tpu.dma_semaphore, #tpu.memory_space<semaphore_mem>>
    %dma_wait3A_431 = arith.constant 0 : i32
    %dma_wait3A_432 = tpu.memref_slice %arg3[%add3A_425, %dma_wait3A_431] : memref<8192x1024xf32, #tpu.memory_space<hbm>> -> memref<16x1024xf32, #tpu.memory_space<hbm>>
    tpu.wait_dma2 semaphore(%dma_wait3A_430 : memref<!tpu.dma_semaphore, #tpu.memory_space<semaphore_mem>>) src(%arg4 : memref<16x1024xf32, #tpu.memory_space<vmem>>) dst(%dma_wait3A_432 : memref<16x1024xf32, #tpu.memory_space<hbm>>)
    %add3A_433 = arith.constant 224 : i32
    %add3A_434 = arith.addi %mul3A_2, %add3A_433 : i32
    %dma_start3A_435 = arith.constant 0 : i32
    %dma_start3A_436 = arith.constant 0 : i32
    %dma_start3A_437 = tpu.memref_slice %arg2[%add3A_434, %dma_start3A_436] : memref<8192x1024xf32, #tpu.memory_space<hbm>> -> memref<16x1024xf32, #tpu.memory_space<hbm>>
    %dma_start3A_438 = tpu.memref_slice %arg11[%dma_start3A_435] : memref<7x!tpu.dma_semaphore, #tpu.memory_space<semaphore_mem>> -> memref<1x!tpu.dma_semaphore, #tpu.memory_space<semaphore_mem>>
    %dma_start3A_439 = tpu.memref_squeeze %dma_start3A_438 : memref<1x!tpu.dma_semaphore, #tpu.memory_space<semaphore_mem>> -> memref<!tpu.dma_semaphore, #tpu.memory_space<semaphore_mem>>
    %dma_start3A_440 = arith.constant 0 : i32
    %dma_start3A_441 = tpu.memref_slice %arg2[%add3A_434, %dma_start3A_440] : memref<8192x1024xf32, #tpu.memory_space<hbm>> -> memref<16x1024xf32, #tpu.memory_space<hbm>>
    tpu.enqueue_dma source(%dma_start3A_441 : memref<16x1024xf32, #tpu.memory_space<hbm>>) target(%arg4 : memref<16x1024xf32, #tpu.memory_space<vmem>>) target_semaphore(%dma_start3A_439 : memref<!tpu.dma_semaphore, #tpu.memory_space<semaphore_mem>>)
    %add3A_442 = arith.constant 208 : i32
    %add3A_443 = arith.addi %mul3A_2, %add3A_442 : i32
    %dma_wait3A_444 = arith.constant 6 : i32
    %dma_wait3A_445 = arith.constant 0 : i32
    %dma_wait3A_446 = tpu.memref_slice %arg2[%add3A_443, %dma_wait3A_445] : memref<8192x1024xf32, #tpu.memory_space<hbm>> -> memref<16x1024xf32, #tpu.memory_space<hbm>>
    %dma_wait3A_447 = tpu.memref_slice %arg11[%dma_wait3A_444] : memref<7x!tpu.dma_semaphore, #tpu.memory_space<semaphore_mem>> -> memref<1x!tpu.dma_semaphore, #tpu.memory_space<semaphore_mem>>
    %dma_wait3A_448 = tpu.memref_squeeze %dma_wait3A_447 : memref<1x!tpu.dma_semaphore, #tpu.memory_space<semaphore_mem>> -> memref<!tpu.dma_semaphore, #tpu.memory_space<semaphore_mem>>
    %dma_wait3A_449 = arith.constant 0 : i32
    %dma_wait3A_450 = tpu.memref_slice %arg2[%add3A_443, %dma_wait3A_449] : memref<8192x1024xf32, #tpu.memory_space<hbm>> -> memref<16x1024xf32, #tpu.memory_space<hbm>>
    tpu.wait_dma2 semaphore(%dma_wait3A_448 : memref<!tpu.dma_semaphore, #tpu.memory_space<semaphore_mem>>) src(%dma_wait3A_450 : memref<16x1024xf32, #tpu.memory_space<hbm>>) dst(%arg10 : memref<16x1024xf32, #tpu.memory_space<vmem>>)
    %add3A_451 = arith.constant 208 : i32
    %add3A_452 = arith.addi %mul3A_2, %add3A_451 : i32
    %dma_start3A_453 = arith.constant 6 : i32
    %dma_start3A_454 = arith.constant 0 : i32
    %dma_start3A_455 = tpu.memref_slice %arg3[%add3A_452, %dma_start3A_454] : memref<8192x1024xf32, #tpu.memory_space<hbm>> -> memref<16x1024xf32, #tpu.memory_space<hbm>>
    %dma_start3A_456 = tpu.memref_slice %arg12[%dma_start3A_453] : memref<7x!tpu.dma_semaphore, #tpu.memory_space<semaphore_mem>> -> memref<1x!tpu.dma_semaphore, #tpu.memory_space<semaphore_mem>>
    %dma_start3A_457 = tpu.memref_squeeze %dma_start3A_456 : memref<1x!tpu.dma_semaphore, #tpu.memory_space<semaphore_mem>> -> memref<!tpu.dma_semaphore, #tpu.memory_space<semaphore_mem>>
    %dma_start3A_458 = arith.constant 0 : i32
    %dma_start3A_459 = tpu.memref_slice %arg3[%add3A_452, %dma_start3A_458] : memref<8192x1024xf32, #tpu.memory_space<hbm>> -> memref<16x1024xf32, #tpu.memory_space<hbm>>
    tpu.enqueue_dma source(%arg10 : memref<16x1024xf32, #tpu.memory_space<vmem>>) target(%dma_start3A_459 : memref<16x1024xf32, #tpu.memory_space<hbm>>) target_semaphore(%dma_start3A_457 : memref<!tpu.dma_semaphore, #tpu.memory_space<semaphore_mem>>)
    %add3A_460 = arith.constant 128 : i32
    %add3A_461 = arith.addi %mul3A_2, %add3A_460 : i32
    %dma_wait3A_462 = arith.constant 1 : i32
    %dma_wait3A_463 = arith.constant 0 : i32
    %dma_wait3A_464 = tpu.memref_slice %arg3[%add3A_461, %dma_wait3A_463] : memref<8192x1024xf32, #tpu.memory_space<hbm>> -> memref<16x1024xf32, #tpu.memory_space<hbm>>
    %dma_wait3A_465 = tpu.memref_slice %arg12[%dma_wait3A_462] : memref<7x!tpu.dma_semaphore, #tpu.memory_space<semaphore_mem>> -> memref<1x!tpu.dma_semaphore, #tpu.memory_space<semaphore_mem>>
    %dma_wait3A_466 = tpu.memref_squeeze %dma_wait3A_465 : memref<1x!tpu.dma_semaphore, #tpu.memory_space<semaphore_mem>> -> memref<!tpu.dma_semaphore, #tpu.memory_space<semaphore_mem>>
    %dma_wait3A_467 = arith.constant 0 : i32
    %dma_wait3A_468 = tpu.memref_slice %arg3[%add3A_461, %dma_wait3A_467] : memref<8192x1024xf32, #tpu.memory_space<hbm>> -> memref<16x1024xf32, #tpu.memory_space<hbm>>
    tpu.wait_dma2 semaphore(%dma_wait3A_466 : memref<!tpu.dma_semaphore, #tpu.memory_space<semaphore_mem>>) src(%arg5 : memref<16x1024xf32, #tpu.memory_space<vmem>>) dst(%dma_wait3A_468 : memref<16x1024xf32, #tpu.memory_space<hbm>>)
    %add3A_469 = arith.constant 240 : i32
    %add3A_470 = arith.addi %mul3A_2, %add3A_469 : i32
    %dma_start3A_471 = arith.constant 1 : i32
    %dma_start3A_472 = arith.constant 0 : i32
    %dma_start3A_473 = tpu.memref_slice %arg2[%add3A_470, %dma_start3A_472] : memref<8192x1024xf32, #tpu.memory_space<hbm>> -> memref<16x1024xf32, #tpu.memory_space<hbm>>
    %dma_start3A_474 = tpu.memref_slice %arg11[%dma_start3A_471] : memref<7x!tpu.dma_semaphore, #tpu.memory_space<semaphore_mem>> -> memref<1x!tpu.dma_semaphore, #tpu.memory_space<semaphore_mem>>
    %dma_start3A_475 = tpu.memref_squeeze %dma_start3A_474 : memref<1x!tpu.dma_semaphore, #tpu.memory_space<semaphore_mem>> -> memref<!tpu.dma_semaphore, #tpu.memory_space<semaphore_mem>>
    %dma_start3A_476 = arith.constant 0 : i32
    %dma_start3A_477 = tpu.memref_slice %arg2[%add3A_470, %dma_start3A_476] : memref<8192x1024xf32, #tpu.memory_space<hbm>> -> memref<16x1024xf32, #tpu.memory_space<hbm>>
    tpu.enqueue_dma source(%dma_start3A_477 : memref<16x1024xf32, #tpu.memory_space<hbm>>) target(%arg5 : memref<16x1024xf32, #tpu.memory_space<vmem>>) target_semaphore(%dma_start3A_475 : memref<!tpu.dma_semaphore, #tpu.memory_space<semaphore_mem>>)
    %add3A_478 = arith.constant 224 : i32
    %add3A_479 = arith.addi %mul3A_2, %add3A_478 : i32
    %dma_wait3A_480 = arith.constant 0 : i32
    %dma_wait3A_481 = arith.constant 0 : i32
    %dma_wait3A_482 = tpu.memref_slice %arg2[%add3A_479, %dma_wait3A_481] : memref<8192x1024xf32, #tpu.memory_space<hbm>> -> memref<16x1024xf32, #tpu.memory_space<hbm>>
    %dma_wait3A_483 = tpu.memref_slice %arg11[%dma_wait3A_480] : memref<7x!tpu.dma_semaphore, #tpu.memory_space<semaphore_mem>> -> memref<1x!tpu.dma_semaphore, #tpu.memory_space<semaphore_mem>>
    %dma_wait3A_484 = tpu.memref_squeeze %dma_wait3A_483 : memref<1x!tpu.dma_semaphore, #tpu.memory_space<semaphore_mem>> -> memref<!tpu.dma_semaphore, #tpu.memory_space<semaphore_mem>>
    %dma_wait3A_485 = arith.constant 0 : i32
    %dma_wait3A_486 = tpu.memref_slice %arg2[%add3A_479, %dma_wait3A_485] : memref<8192x1024xf32, #tpu.memory_space<hbm>> -> memref<16x1024xf32, #tpu.memory_space<hbm>>
    tpu.wait_dma2 semaphore(%dma_wait3A_484 : memref<!tpu.dma_semaphore, #tpu.memory_space<semaphore_mem>>) src(%dma_wait3A_486 : memref<16x1024xf32, #tpu.memory_space<hbm>>) dst(%arg4 : memref<16x1024xf32, #tpu.memory_space<vmem>>)
    %add3A_487 = arith.constant 224 : i32
    %add3A_488 = arith.addi %mul3A_2, %add3A_487 : i32
    %dma_start3A_489 = arith.constant 0 : i32
    %dma_start3A_490 = arith.constant 0 : i32
    %dma_start3A_491 = tpu.memref_slice %arg3[%add3A_488, %dma_start3A_490] : memref<8192x1024xf32, #tpu.memory_space<hbm>> -> memref<16x1024xf32, #tpu.memory_space<hbm>>
    %dma_start3A_492 = tpu.memref_slice %arg12[%dma_start3A_489] : memref<7x!tpu.dma_semaphore, #tpu.memory_space<semaphore_mem>> -> memref<1x!tpu.dma_semaphore, #tpu.memory_space<semaphore_mem>>
    %dma_start3A_493 = tpu.memref_squeeze %dma_start3A_492 : memref<1x!tpu.dma_semaphore, #tpu.memory_space<semaphore_mem>> -> memref<!tpu.dma_semaphore, #tpu.memory_space<semaphore_mem>>
    %dma_start3A_494 = arith.constant 0 : i32
    %dma_start3A_495 = tpu.memref_slice %arg3[%add3A_488, %dma_start3A_494] : memref<8192x1024xf32, #tpu.memory_space<hbm>> -> memref<16x1024xf32, #tpu.memory_space<hbm>>
    tpu.enqueue_dma source(%arg4 : memref<16x1024xf32, #tpu.memory_space<vmem>>) target(%dma_start3A_495 : memref<16x1024xf32, #tpu.memory_space<hbm>>) target_semaphore(%dma_start3A_493 : memref<!tpu.dma_semaphore, #tpu.memory_space<semaphore_mem>>)
    %add3A_496 = arith.constant 240 : i32
    %add3A_497 = arith.addi %mul3A_2, %add3A_496 : i32
    %dma_wait3A_498 = arith.constant 1 : i32
    %dma_wait3A_499 = arith.constant 0 : i32
    %dma_wait3A_500 = tpu.memref_slice %arg2[%add3A_497, %dma_wait3A_499] : memref<8192x1024xf32, #tpu.memory_space<hbm>> -> memref<16x1024xf32, #tpu.memory_space<hbm>>
    %dma_wait3A_501 = tpu.memref_slice %arg11[%dma_wait3A_498] : memref<7x!tpu.dma_semaphore, #tpu.memory_space<semaphore_mem>> -> memref<1x!tpu.dma_semaphore, #tpu.memory_space<semaphore_mem>>
    %dma_wait3A_502 = tpu.memref_squeeze %dma_wait3A_501 : memref<1x!tpu.dma_semaphore, #tpu.memory_space<semaphore_mem>> -> memref<!tpu.dma_semaphore, #tpu.memory_space<semaphore_mem>>
    %dma_wait3A_503 = arith.constant 0 : i32
    %dma_wait3A_504 = tpu.memref_slice %arg2[%add3A_497, %dma_wait3A_503] : memref<8192x1024xf32, #tpu.memory_space<hbm>> -> memref<16x1024xf32, #tpu.memory_space<hbm>>
    tpu.wait_dma2 semaphore(%dma_wait3A_502 : memref<!tpu.dma_semaphore, #tpu.memory_space<semaphore_mem>>) src(%dma_wait3A_504 : memref<16x1024xf32, #tpu.memory_space<hbm>>) dst(%arg5 : memref<16x1024xf32, #tpu.memory_space<vmem>>)
    %add3A_505 = arith.constant 240 : i32
    %add3A_506 = arith.addi %mul3A_2, %add3A_505 : i32
    %dma_start3A_507 = arith.constant 1 : i32
    %dma_start3A_508 = arith.constant 0 : i32
    %dma_start3A_509 = tpu.memref_slice %arg3[%add3A_506, %dma_start3A_508] : memref<8192x1024xf32, #tpu.memory_space<hbm>> -> memref<16x1024xf32, #tpu.memory_space<hbm>>
    %dma_start3A_510 = tpu.memref_slice %arg12[%dma_start3A_507] : memref<7x!tpu.dma_semaphore, #tpu.memory_space<semaphore_mem>> -> memref<1x!tpu.dma_semaphore, #tpu.memory_space<semaphore_mem>>
    %dma_start3A_511 = tpu.memref_squeeze %dma_start3A_510 : memref<1x!tpu.dma_semaphore, #tpu.memory_space<semaphore_mem>> -> memref<!tpu.dma_semaphore, #tpu.memory_space<semaphore_mem>>
    %dma_start3A_512 = arith.constant 0 : i32
    %dma_start3A_513 = tpu.memref_slice %arg3[%add3A_506, %dma_start3A_512] : memref<8192x1024xf32, #tpu.memory_space<hbm>> -> memref<16x1024xf32, #tpu.memory_space<hbm>>
    tpu.enqueue_dma source(%arg5 : memref<16x1024xf32, #tpu.memory_space<vmem>>) target(%dma_start3A_513 : memref<16x1024xf32, #tpu.memory_space<hbm>>) target_semaphore(%dma_start3A_511 : memref<!tpu.dma_semaphore, #tpu.memory_space<semaphore_mem>>)
    %add3A_514 = arith.constant 144 : i32
    %add3A_515 = arith.addi %mul3A_2, %add3A_514 : i32
    %dma_wait3A_516 = arith.constant 2 : i32
    %dma_wait3A_517 = arith.constant 0 : i32
    %dma_wait3A_518 = tpu.memref_slice %arg3[%add3A_515, %dma_wait3A_517] : memref<8192x1024xf32, #tpu.memory_space<hbm>> -> memref<16x1024xf32, #tpu.memory_space<hbm>>
    %dma_wait3A_519 = tpu.memref_slice %arg12[%dma_wait3A_516] : memref<7x!tpu.dma_semaphore, #tpu.memory_space<semaphore_mem>> -> memref<1x!tpu.dma_semaphore, #tpu.memory_space<semaphore_mem>>
    %dma_wait3A_520 = tpu.memref_squeeze %dma_wait3A_519 : memref<1x!tpu.dma_semaphore, #tpu.memory_space<semaphore_mem>> -> memref<!tpu.dma_semaphore, #tpu.memory_space<semaphore_mem>>
    %dma_wait3A_521 = arith.constant 0 : i32
    %dma_wait3A_522 = tpu.memref_slice %arg3[%add3A_515, %dma_wait3A_521] : memref<8192x1024xf32, #tpu.memory_space<hbm>> -> memref<16x1024xf32, #tpu.memory_space<hbm>>
    tpu.wait_dma2 semaphore(%dma_wait3A_520 : memref<!tpu.dma_semaphore, #tpu.memory_space<semaphore_mem>>) src(%arg6 : memref<16x1024xf32, #tpu.memory_space<vmem>>) dst(%dma_wait3A_522 : memref<16x1024xf32, #tpu.memory_space<hbm>>)
    %add3A_523 = arith.constant 160 : i32
    %add3A_524 = arith.addi %mul3A_2, %add3A_523 : i32
    %dma_wait3A_525 = arith.constant 3 : i32
    %dma_wait3A_526 = arith.constant 0 : i32
    %dma_wait3A_527 = tpu.memref_slice %arg3[%add3A_524, %dma_wait3A_526] : memref<8192x1024xf32, #tpu.memory_space<hbm>> -> memref<16x1024xf32, #tpu.memory_space<hbm>>
    %dma_wait3A_528 = tpu.memref_slice %arg12[%dma_wait3A_525] : memref<7x!tpu.dma_semaphore, #tpu.memory_space<semaphore_mem>> -> memref<1x!tpu.dma_semaphore, #tpu.memory_space<semaphore_mem>>
    %dma_wait3A_529 = tpu.memref_squeeze %dma_wait3A_528 : memref<1x!tpu.dma_semaphore, #tpu.memory_space<semaphore_mem>> -> memref<!tpu.dma_semaphore, #tpu.memory_space<semaphore_mem>>
    %dma_wait3A_530 = arith.constant 0 : i32
    %dma_wait3A_531 = tpu.memref_slice %arg3[%add3A_524, %dma_wait3A_530] : memref<8192x1024xf32, #tpu.memory_space<hbm>> -> memref<16x1024xf32, #tpu.memory_space<hbm>>
    tpu.wait_dma2 semaphore(%dma_wait3A_529 : memref<!tpu.dma_semaphore, #tpu.memory_space<semaphore_mem>>) src(%arg7 : memref<16x1024xf32, #tpu.memory_space<vmem>>) dst(%dma_wait3A_531 : memref<16x1024xf32, #tpu.memory_space<hbm>>)
    %add3A_532 = arith.constant 176 : i32
    %add3A_533 = arith.addi %mul3A_2, %add3A_532 : i32
    %dma_wait3A_534 = arith.constant 4 : i32
    %dma_wait3A_535 = arith.constant 0 : i32
    %dma_wait3A_536 = tpu.memref_slice %arg3[%add3A_533, %dma_wait3A_535] : memref<8192x1024xf32, #tpu.memory_space<hbm>> -> memref<16x1024xf32, #tpu.memory_space<hbm>>
    %dma_wait3A_537 = tpu.memref_slice %arg12[%dma_wait3A_534] : memref<7x!tpu.dma_semaphore, #tpu.memory_space<semaphore_mem>> -> memref<1x!tpu.dma_semaphore, #tpu.memory_space<semaphore_mem>>
    %dma_wait3A_538 = tpu.memref_squeeze %dma_wait3A_537 : memref<1x!tpu.dma_semaphore, #tpu.memory_space<semaphore_mem>> -> memref<!tpu.dma_semaphore, #tpu.memory_space<semaphore_mem>>
    %dma_wait3A_539 = arith.constant 0 : i32
    %dma_wait3A_540 = tpu.memref_slice %arg3[%add3A_533, %dma_wait3A_539] : memref<8192x1024xf32, #tpu.memory_space<hbm>> -> memref<16x1024xf32, #tpu.memory_space<hbm>>
    tpu.wait_dma2 semaphore(%dma_wait3A_538 : memref<!tpu.dma_semaphore, #tpu.memory_space<semaphore_mem>>) src(%arg8 : memref<16x1024xf32, #tpu.memory_space<vmem>>) dst(%dma_wait3A_540 : memref<16x1024xf32, #tpu.memory_space<hbm>>)
    %add3A_541 = arith.constant 192 : i32
    %add3A_542 = arith.addi %mul3A_2, %add3A_541 : i32
    %dma_wait3A_543 = arith.constant 5 : i32
    %dma_wait3A_544 = arith.constant 0 : i32
    %dma_wait3A_545 = tpu.memref_slice %arg3[%add3A_542, %dma_wait3A_544] : memref<8192x1024xf32, #tpu.memory_space<hbm>> -> memref<16x1024xf32, #tpu.memory_space<hbm>>
    %dma_wait3A_546 = tpu.memref_slice %arg12[%dma_wait3A_543] : memref<7x!tpu.dma_semaphore, #tpu.memory_space<semaphore_mem>> -> memref<1x!tpu.dma_semaphore, #tpu.memory_space<semaphore_mem>>
    %dma_wait3A_547 = tpu.memref_squeeze %dma_wait3A_546 : memref<1x!tpu.dma_semaphore, #tpu.memory_space<semaphore_mem>> -> memref<!tpu.dma_semaphore, #tpu.memory_space<semaphore_mem>>
    %dma_wait3A_548 = arith.constant 0 : i32
    %dma_wait3A_549 = tpu.memref_slice %arg3[%add3A_542, %dma_wait3A_548] : memref<8192x1024xf32, #tpu.memory_space<hbm>> -> memref<16x1024xf32, #tpu.memory_space<hbm>>
    tpu.wait_dma2 semaphore(%dma_wait3A_547 : memref<!tpu.dma_semaphore, #tpu.memory_space<semaphore_mem>>) src(%arg9 : memref<16x1024xf32, #tpu.memory_space<vmem>>) dst(%dma_wait3A_549 : memref<16x1024xf32, #tpu.memory_space<hbm>>)
    %add3A_550 = arith.constant 208 : i32
    %add3A_551 = arith.addi %mul3A_2, %add3A_550 : i32
    %dma_wait3A_552 = arith.constant 6 : i32
    %dma_wait3A_553 = arith.constant 0 : i32
    %dma_wait3A_554 = tpu.memref_slice %arg3[%add3A_551, %dma_wait3A_553] : memref<8192x1024xf32, #tpu.memory_space<hbm>> -> memref<16x1024xf32, #tpu.memory_space<hbm>>
    %dma_wait3A_555 = tpu.memref_slice %arg12[%dma_wait3A_552] : memref<7x!tpu.dma_semaphore, #tpu.memory_space<semaphore_mem>> -> memref<1x!tpu.dma_semaphore, #tpu.memory_space<semaphore_mem>>
    %dma_wait3A_556 = tpu.memref_squeeze %dma_wait3A_555 : memref<1x!tpu.dma_semaphore, #tpu.memory_space<semaphore_mem>> -> memref<!tpu.dma_semaphore, #tpu.memory_space<semaphore_mem>>
    %dma_wait3A_557 = arith.constant 0 : i32
    %dma_wait3A_558 = tpu.memref_slice %arg3[%add3A_551, %dma_wait3A_557] : memref<8192x1024xf32, #tpu.memory_space<hbm>> -> memref<16x1024xf32, #tpu.memory_space<hbm>>
    tpu.wait_dma2 semaphore(%dma_wait3A_556 : memref<!tpu.dma_semaphore, #tpu.memory_space<semaphore_mem>>) src(%arg10 : memref<16x1024xf32, #tpu.memory_space<vmem>>) dst(%dma_wait3A_558 : memref<16x1024xf32, #tpu.memory_space<hbm>>)
    %add3A_559 = arith.constant 224 : i32
    %add3A_560 = arith.addi %mul3A_2, %add3A_559 : i32
    %dma_wait3A_561 = arith.constant 0 : i32
    %dma_wait3A_562 = arith.constant 0 : i32
    %dma_wait3A_563 = tpu.memref_slice %arg3[%add3A_560, %dma_wait3A_562] : memref<8192x1024xf32, #tpu.memory_space<hbm>> -> memref<16x1024xf32, #tpu.memory_space<hbm>>
    %dma_wait3A_564 = tpu.memref_slice %arg12[%dma_wait3A_561] : memref<7x!tpu.dma_semaphore, #tpu.memory_space<semaphore_mem>> -> memref<1x!tpu.dma_semaphore, #tpu.memory_space<semaphore_mem>>
    %dma_wait3A_565 = tpu.memref_squeeze %dma_wait3A_564 : memref<1x!tpu.dma_semaphore, #tpu.memory_space<semaphore_mem>> -> memref<!tpu.dma_semaphore, #tpu.memory_space<semaphore_mem>>
    %dma_wait3A_566 = arith.constant 0 : i32
    %dma_wait3A_567 = tpu.memref_slice %arg3[%add3A_560, %dma_wait3A_566] : memref<8192x1024xf32, #tpu.memory_space<hbm>> -> memref<16x1024xf32, #tpu.memory_space<hbm>>
    tpu.wait_dma2 semaphore(%dma_wait3A_565 : memref<!tpu.dma_semaphore, #tpu.memory_space<semaphore_mem>>) src(%arg4 : memref<16x1024xf32, #tpu.memory_space<vmem>>) dst(%dma_wait3A_567 : memref<16x1024xf32, #tpu.memory_space<hbm>>)
    %add3A_568 = arith.constant 240 : i32
    %add3A_569 = arith.addi %mul3A_2, %add3A_568 : i32
    %dma_wait3A_570 = arith.constant 1 : i32
    %dma_wait3A_571 = arith.constant 0 : i32
    %dma_wait3A_572 = tpu.memref_slice %arg3[%add3A_569, %dma_wait3A_571] : memref<8192x1024xf32, #tpu.memory_space<hbm>> -> memref<16x1024xf32, #tpu.memory_space<hbm>>
    %dma_wait3A_573 = tpu.memref_slice %arg12[%dma_wait3A_570] : memref<7x!tpu.dma_semaphore, #tpu.memory_space<semaphore_mem>> -> memref<1x!tpu.dma_semaphore, #tpu.memory_space<semaphore_mem>>
    %dma_wait3A_574 = tpu.memref_squeeze %dma_wait3A_573 : memref<1x!tpu.dma_semaphore, #tpu.memory_space<semaphore_mem>> -> memref<!tpu.dma_semaphore, #tpu.memory_space<semaphore_mem>>
    %dma_wait3A_575 = arith.constant 0 : i32
    %dma_wait3A_576 = tpu.memref_slice %arg3[%add3A_569, %dma_wait3A_575] : memref<8192x1024xf32, #tpu.memory_space<hbm>> -> memref<16x1024xf32, #tpu.memory_space<hbm>>
    tpu.wait_dma2 semaphore(%dma_wait3A_574 : memref<!tpu.dma_semaphore, #tpu.memory_space<semaphore_mem>>) src(%arg5 : memref<16x1024xf32, #tpu.memory_space<vmem>>) dst(%dma_wait3A_576 : memref<16x1024xf32, #tpu.memory_space<hbm>>)
    return
  }
}

</mosaic_0001>

<sc_bundles>
// kernel: kernel.3.cloned.1.call-start
scs
__scs_entry_jumppad:
0x0: {  	(pc) =	sbr.rel $0x88, $3  }
0x1: {  	(tag) =	ssettag $0x0;
	lr =	simm.s32 $0x1  }
0x2: {  	[smem:$0x3FA0] =	sst lr;
	_ =	strace $0xD0000000  }
0x3: {  	_ = 	snop  }
0x4: {  	_ = 	snop  }
0x5: {  	_ = 	snop  }
0x6: {  	_ = 	snop  }
0x7: {  	_ = 	snop  }
__scs_overlays_trampoline_lowered:
0x8: {  	[smem:$0x3FAF] =	sst s0  }
0x9: {  	[smem:$0x3FB0] =	sst s1  }
0xa: {  	[smem:$0x3FB1] =	sst s2  }
0xb: {  	[smem:$0x3FB2] =	sst s3  }
0xc: {  	[smem:$0x3FB3] =	sst s4  }
0xd: {  	[smem:$0x3FB4] =	sst s5  }
0xe: {  	[smem:$0x3FB5] =	sst s6  }
0xf: {  	[smem:$0x3FB6] =	sst s7  }
0x10: {  	[smem:$0x3FB7] =	sst s8  }
0x11: {  	[smem:$0x3FB8] =	sst s9;
	s0 =	simm.s32 @!p0 $0x0  }
0x12: {  	s1 =	sld [smem:$0x3F9E];
	s0 =	simm.s32 @p0 $0x1  }
0x13: {  	[smem:$0x3FB9] =	sst s0;
	s0 =	simm.s32 @!p1 $0x0  }
0x14: {  	s2 =	sld [smem:$0x3F9D];
	s0 =	simm.s32 @p1 $0x1  }
0x15: {  	[smem:$0x3FBA] =	sst s0;
	s0 =	simm.s32 @!p2 $0x0  }
0x16: {  	s3 =	sld [smem:$0x3FDB];
	s0 =	simm.s32 @p2 $0x1  }
0x17: {  	s4 =	simm.s32 $0x1BF5;
	[smem:$0x3FBC] =	sst s0  }
0x18: {  	s0 =	sld [smem:$0x3F9F];
	_ =	swait.ge [sflag:s4], $0x0  }
0x19: {  	s7 =	sld [smem:$0x3FA0]  }
0x1a: {  	s8 =	sadd.s32 $0xFFFFE003, lr  }
0x1b: {  	s9 =	sadd.s32 $0xFFFFFEF7, lr;
	s5 =	simm.s32 $0xFFFFFFFF;
	p2 =	slt.u32 s8, $0xFFFFF086  }
0x1c: {  	p1 =	slt.u32 s9, $0xF7A;
	s5 =	simm.s32 @!p2 $0x0  }
0x1d: {  	s5 =	simm.s32 @p1 $0x1;
	p0 =	seq.s32 s7, s2  }
0x1e: {  	s7 =	smul.u32 @!p0 $0xF7A, s2;
	p2 =	seq.s32 @!p0 s5, $0x0  }
0x1f: {  	s9 =	smul.u32 $0xF7A, s1;
	s8 =	simm.s32 @!p0 $0x1BF5;
	p2 =	por !p2, p0  }
0x20: {  	[sflag:s8] =	ssyncset.s32 @!p0 $0xFFFFF086;
	s6 =	sadd.s32 @!p0 s3, s7;
	s7 =	simm.s32 @!p0 $0x108  }
0x21: {  	s3 =	sadd.s32 s3, s9;
	s6 =	sadd.s32 @!p0 $0x88, s6;
	s7 =	simm.s32 @p2 $0x1082  }
0x22: {  	[simem:s7], [sflag:s8] =	dma.local @!p0 [hbm:s6], $0xF7A  }
0x23: {  	s9 =	sor.u32 $0xD0000000, s2;
	s6 =	simm.s32 $0x108;
	_ =	swait.ge @!p0 [sflag:s8], $0x0  }
0x24: {  	s3 =	sadd.s32 $0x88, s3;
	s6 =	simm.s32 @!p1 $0x1082;
	[sflag:s4] =	ssyncset.s32 $0xFFFFF086  }
0x25: {  	[simem:s6], [sflag:s4] =	dma.local [hbm:s3], $0xF7A  }
0x26: {  	[smem:$0x3FA0] =	sst s1;
	(tag) =	ssettag s2;
	_ =	strace s9  }
0x27: {  	s1 =	sld [smem:$0x3FB0]  }
0x28: {  	s2 =	sld [smem:$0x3FB1]  }
0x29: {  	s4 =	sld [smem:$0x3FB3]  }
0x2a: {  	p0 =	seq.s32 s5, $0x0;
	s5 =	sld [smem:$0x3FB4]  }
0x2b: {  	s6 =	sld [smem:$0x3FB5]  }
0x2c: {  	s7 =	sld [smem:$0x3FB6]  }
0x2d: {  	s3 =	simm.s32 $0x108;
	s8 =	sld [smem:$0x3FB7]  }
0x2e: {  	s3 =	simm.s32 @!p0 $0x1082;
	s9 =	sld [smem:$0x3FB8]  }
0x2f: {  	lr =	sadd.s32 s0, s3;
	s0 =	sld [smem:$0x3FAF]  }
0x30: {  	s3 =	sld [smem:$0x3FB2]  }
0x31: {  	[smem:$0x3FBB] =	sst s10  }
0x32: {  	s10 =	sld [smem:$0x3FB9];
	_ =	sdelay $0x3  }
0x33: {  	p0 =	seq.s32 s10, $0x1;
	s10 =	sld [smem:$0x3FBB];
	_ =	sdelay $0x3  }
0x34: {  	[smem:$0x3FBB] =	sst s10  }
0x35: {  	s10 =	sld [smem:$0x3FBA];
	_ =	sdelay $0x3  }
0x36: {  	p1 =	seq.s32 s10, $0x1;
	s10 =	sld [smem:$0x3FBB];
	_ =	sdelay $0x3  }
0x37: {  	[smem:$0x3FBB] =	sst s10  }
0x38: {  	s10 =	sld [smem:$0x3FBC]  }
0x39: {  	_ = 	snop;
	(pc) =	sbr.ind lr, $3  }
0x3a: {  	_ = 	snop  }
0x3b: {  	_ = 	snop  }
0x3c: {  	p2 =	seq.s32 s10, $0x1;
	s10 =	sld [smem:$0x3FBB]  }
0x3d: {  	_ =	shalt  }
0x3e: {  	_ =	shalt  }
0x3f: {  	_ =	shalt  }
0x40: {  	_ =	shalt  }
0x41: {  	_ =	shalt  }
0x42: {  	_ =	shalt  }
0x43: {  	_ =	shalt  }
0x44: {  	_ =	shalt  }
0x45: {  	_ =	shalt  }
0x46: {  	_ =	shalt  }
0x47: {  	_ =	shalt  }
0x48: {  	_ =	shalt  }
0x49: {  	_ =	shalt  }
0x4a: {  	_ =	shalt  }
0x4b: {  	_ =	shalt  }
0x4c: {  	_ =	shalt  }
0x4d: {  	_ =	shalt  }
0x4e: {  	_ =	shalt  }
0x4f: {  	_ =	shalt  }
0x50: {  	_ =	shalt  }
0x51: {  	_ =	shalt  }
0x52: {  	_ =	shalt  }
0x53: {  	_ =	shalt  }
0x54: {  	_ =	shalt  }
0x55: {  	_ =	shalt  }
0x56: {  	_ =	shalt  }
0x57: {  	_ =	shalt  }
0x58: {  	_ =	shalt  }
0x59: {  	_ =	shalt  }
0x5a: {  	_ =	shalt  }
0x5b: {  	_ =	shalt  }
0x5c: {  	_ =	shalt  }
0x5d: {  	_ =	shalt  }
0x5e: {  	_ =	shalt  }
0x5f: {  	_ =	shalt  }
0x60: {  	_ =	shalt  }
0x61: {  	_ =	shalt  }
0x62: {  	_ =	shalt  }
0x63: {  	_ =	shalt  }
0x64: {  	_ =	shalt  }
0x65: {  	_ =	shalt  }
0x66: {  	_ =	shalt  }
0x67: {  	_ =	shalt  }
0x68: {  	_ =	shalt  }
0x69: {  	_ =	shalt  }
0x6a: {  	_ =	shalt  }
0x6b: {  	_ =	shalt  }
0x6c: {  	_ =	shalt  }
0x6d: {  	_ =	shalt  }
0x6e: {  	_ =	shalt  }
0x6f: {  	_ =	shalt  }
0x70: {  	_ =	shalt  }
0x71: {  	_ =	shalt  }
0x72: {  	_ =	shalt  }
0x73: {  	_ =	shalt  }
0x74: {  	_ =	shalt  }
0x75: {  	_ =	shalt  }
0x76: {  	_ =	shalt  }
0x77: {  	_ =	shalt  }
0x78: {  	_ =	shalt  }
0x79: {  	_ =	shalt  }
0x7a: {  	_ =	shalt  }
0x7b: {  	_ =	shalt  }
0x7c: {  	_ =	shalt  }
0x7d: {  	_ =	shalt  }
0x7e: {  	_ =	shalt  }
0x7f: {  	_ =	shalt  }
0x80: {  	_ =	shalt  }
0x81: {  	_ =	shalt  }
0x82: {  	_ =	shalt  }
0x83: {  	_ =	shalt  }
0x84: {  	_ =	shalt  }
0x85: {  	_ =	shalt  }
0x86: {  	_ =	shalt  }
0x87: {  	_ =	shalt  }
.Lfunc_end0:
.L_simem_size_0:
called_computation_lowered:
.L_overlay_start_0:
0x88: {  	s2 =	sld [smem:$0x3FD9]  }
0x89: {  	s3 =	sld [smem:$0x3FFE];
	_ =	sdelay $0x1  }
0x8a: {  	s1 =	srdreg.scid  }
0x8b: {  	s0 =	sand.u32 $0x1, s1  }
0x8c: {  	s18 =	sshll.u32 s0, $0xA;
	s2 =	sadd.s32 s3, s2  }
0x8d: {  	s2 =	sadd.s32 s2, s18  }
0x8e: {  	[smem:$0x3FC7] =	sst s2  }
0x8f: {  	_ = 	snop  }
0x90: {  	s2 =	sld [smem:$0x3FC9]  }
0x91: {  	s19 =	sld [smem:$0x3FD0];
	(tm) =	ssettm $0x1  }
0x92: {  	s4 =	sld [smem:$0x3FFB];
	_ =	sdelay $0x3  }
0x93: {  	_ =	strace s4  }
0x94: {  	s4 =	sld [smem:$0x3FFC];
	_ =	sdelay $0x3  }
0x95: {  	_ =	strace s4  }
0x96: {  	s4 =	sld [smem:$0x3FFD];
	_ =	sdelay $0x3  }
0x97: {  	_ =	strace s4  }
0x98: {  	_ =	strace $0x8FFFFFFF  }
0x99: {  	s20 =	sld [smem:$0x3FDB];
	_ =	sdelay $0x1  }
0x9a: {  	s5 =	simm.s32 $_scs_section_size  }
0x9b: {  	s6 =	simm.s32 $_size__tile_overlayer_lowered;
	s7 =	simm.s32 $_tile_overlayer_lowered  }
0x9c: {  	s23 =	simm.s32 $0x1BFF;
	s22 =	sshll.u32 s7, $0x1;
	s4 =	sadd.s32 s5, s20  }
0x9d: {  	s8 =	simm.s32 $0x0;
	s21 =	sshll.u32 s6, $0x1;
	s6 =	sadd.s32 s22, s4  }
0x9e: {  	[timem:s8], [sflag:s23] =	dma.local [hbm:s6], s21  }
0x9f: {  	_ =	swait.ge [sflag:s23], s21  }
0xa0: {  	s5 =	ssub.s32 $0x0, s21;
	[sflag:s23] =	ssyncset.done $0x0  }
0xa1: {  	[sflag:s23] =	ssyncadd.s32 s5;
	_ =	sdelay $0x1  }
0xa2: {  	s24 =	simm.s32 $0x1B8B  }
0xa3: {  	_ =	swait.ge [sflag:s24], $0x1  }
0xa4: {  	[sflag:s24] =	ssyncset.done $0x0  }
0xa5: {  	s25 =	simm.s32 $0x1B8E;
	[sflag:s24] =	ssyncadd.s32 $0xFFFFFFFF  }
0xa6: {  	s26 =	simm.s32 $execute0_lowered;
	[smem:$0x3FD2] =	sst s25  }
0xa7: {  	s5 =	sshll.u32 s26, $0x1;
	_ =	strace $0x80000046;
	[dreg:$0x1] =	wrdreg $0xFFFFFFFF  }
0xa8: {  	s28 =	simm.s32 $_size_execute0_lowered;
	s4 =	sadd.s32 s4, s5;
	[dreg:$0x0] =	wrdreg $0x0  }
0xa9: {  	s5 =	sshll.u32 s28, $0x1;
	[dreg:$0x2] =	wrdreg s4  }
0xaa: {  	[dreg:$0x3] =	wrdreg s5  }
0xab: {  	[dreg:$0x4] =	wrdreg $0xC0  }
0xac: {  	_ =	task [dreg:s8], $0x5FFFF  }
0xad: {  	[dreg:$0x1] =	wrdreg $0xFFFFFFFF  }
0xae: {  	[dreg:$0x0] =	wrdreg $0x60  }
0xaf: {  	[dreg:$0x2] =	wrdreg s2  }
0xb0: {  	[dreg:$0x3] =	wrdreg s19  }
0xb1: {  	[dreg:$0x4] =	wrdreg $0x9  }
0xb2: {  	_ =	task.clear_ibuf [dreg:s8], $0x5FFFF;
	_ =	strace $0x90000046  }
0xb3: {  	s29 =	simm.s32 $0x9;
	_ =	strace $0x80000048  }
0xb4: {  	_ =	swait.ge [sflag:s29], $0x1  }
0xb5: {  	[sflag:s29] =	ssyncadd.s32 $0xFFFFFFFF  }
0xb6: {  	_ =	strace $0x90000048  }
0xb7: {  	_ =	sfence  }
0xb8: {  	s30 =	sld [smem:$0x0];
	_ =	sdelay $0x2  }
0xb9: {  	s31 =	sshll.u32 s1, $0xD;
	s1 =	sshrl.u32 s1, $0x2  }
0xba: {  	s3 =	sand.u32 $0x4000, s31;
	s1 =	sadd.s32 s1, s30  }
0xbb: {  	s0 =	sor.u32 s3, s0;
	s1 =	sshll.u32 s1, $0x11  }
0xbc: {  	s0 =	sor.u32 s1, s0  }
0xbd: {  	s0 =	sadd.s32 $0x8F2B, s0  }
0xbe: {  	[sflag:s0] =	ssyncadd.remote.s32 $0x1  }
0xbf: {  	_ =	sfence.sel $0xFFFF  }
0xc0: {  	[dreg:$0x0] =	wrdreg $0xFFFFFFFF;
	(pc) =	sbr.abs _section_cstart, $3  }
0xc1: {  	[dreg:$0x1] =	wrdreg $0xFFFFFFFF  }
0xc2: {  	_ =	task.clear_ibuf [dreg:s8], $0x2FFFF;
	_ =	strace $0x9FFFFFFF  }
0xc3: {  	(tm) =	ssettm $0x7FFFFFFF  }
tec
execute0_lowered:
.L_overlay_start_1:
0x0: {  	(tag) =	ssettag $0x1  }
0x1: {  	s3 =	rddreg [dreg:$0x0]  }
0x2: {  	s0 =	rddreg [dreg:$0x1];
	s1 =	srdreg.scid  }
0x3: {  	s4 =	stileid.u32;
	s2 =	simm.s32 $0x0;
	s30 =	simm.s32 $0x8000  }
0x4: {  	s28 =	simm.s32 $0xC000;
	s31 =	simm.s32 $0x3;
	s1 =	sand.u32 $0x1, s1  }
0x5: {  	s29 =	simm.s32 $0x4;
	s4 =	sshll.u32 s4, $0x10;
	s5 =	sshll.u32 s1, $0xF  }
0x6: {  	p0 =	por $0x0, $0x0;
	[smem:$0x7FF] =	sst s2;
	s4 =	sor.u32 s5, s4  }
0x7: {  	_ =	strace $0x80000047;
	s1 =	ssub.s32 $0x2, s1;
	s5 =	sadd.s32 s3, s4  }
0x8: {  	s6 =	sor.u32 $0x800, s4;
	s22 =	sadd.s32 s0, s4;
	[dreg:$0x3] =	wrdreg s5  }
0x9: {  	s7 =	sor.u32 $0x1000, s4;
	s21 =	sadd.s32 s3, s6;
	[dreg:$0x5] =	wrdreg s22  }
0xa: {  	s25 =	sor.u32 $0x1800, s4;
	s23 =	sadd.s32 s3, s7;
	[dreg:$0x4] =	wrdreg s21  }
0xb: {  	s8 =	sor.u32 $0x2000, s4;
	s24 =	sadd.s32 s0, s6;
	[dreg:$0x6] =	wrdreg s23  }
0xc: {  	s11 =	sor.u32 $0x2800, s4;
	s26 =	sadd.s32 s3, s25;
	[dreg:$0x7] =	wrdreg s24  }
0xd: {  	s14 =	sor.u32 $0x3000, s4;
	s7 =	sadd.s32 s0, s7;
	[dreg:$0x8] =	wrdreg s26  }
0xe: {  	s17 =	sor.u32 $0x3800, s4;
	s9 =	sadd.s32 s3, s8;
	[dreg:$0x9] =	wrdreg s7  }
0xf: {  	s20 =	sor.u32 $0x4000, s4;
	s10 =	sadd.s32 s0, s25;
	[dreg:$0xa] =	wrdreg s9  }
0x10: {  	s12 =	sadd.s32 s3, s11;
	s13 =	sadd.s32 s0, s8;
	[dreg:$0xb] =	wrdreg s10  }
0x11: {  	s15 =	sadd.s32 s3, s14;
	s16 =	sadd.s32 s0, s11;
	[dreg:$0xc] =	wrdreg s12  }
0x12: {  	s18 =	sadd.s32 s3, s17;
	s19 =	sadd.s32 s0, s14;
	[dreg:$0xd] =	wrdreg s13  }
0x13: {  	s22 =	sadd.s32 s0, s17;
	s25 =	sadd.s32 s0, s20;
	[dreg:$0xe] =	wrdreg s15  }
0x14: {  	s8 =	sshrl.u32 s1, $0x1;
	s11 =	sor.u32 $0x5800, s4;
	[dreg:$0xf] =	wrdreg s16  }
0x15: {  	s14 =	sor.u32 $0x6000, s4;
	s17 =	sor.u32 $0x7000, s4;
	[dreg:$0x10] =	wrdreg s18  }
0x16: {  	s6 =	simm.s32 $0x4000;
	[dreg:$0x11] =	wrdreg s19;
	s21 =	sadd.s32 s3, s20  }
0x17: {  	s23 =	sor.u32 $0x4800, s4;
	[dreg:$0x13] =	wrdreg s22;
	s26 =	sor.u32 $0x5000, s4  }
0x18: {  	[dreg:$0x15] =	wrdreg s25;
	s1 =	ssub.s32 s1, s8;
	s12 =	sadd.s32 s3, s11  }
0x19: {  	s15 =	sadd.s32 s3, s14;
	s16 =	sor.u32 $0x6800, s4;
	s20 =	sadd.s32 s0, s11  }
0x1a: {  	s4 =	sor.u32 $0x7800, s4;
	s7 =	sadd.s32 s0, s17;
	s25 =	simm.s32 $0x10000  }
0x1b: {  	s22 =	simm.s32 $0x7;
	[dreg:$0x12] =	wrdreg s21;
	s24 =	sadd.s32 s3, s23  }
0x1c: {  	s9 =	sadd.s32 s3, s26;
	s10 =	sadd.s32 s0, s23;
	[dreg:$0x18] =	wrdreg s12  }
0x1d: {  	s13 =	sadd.s32 s0, s26;
	[dreg:$0x1a] =	wrdreg s15;
	s18 =	sadd.s32 s3, s16  }
0x1e: {  	s15 =	sadd.s32 s0, s14;
	s14 =	sadd.s32 s3, s17;
	s11 =	sadd.s32 s0, s16  }
0x1f: {  	s8 =	sadd.s32 s3, s4;
	s5 =	sadd.s32 s0, s4;
	s19 =	smax.u32 s1, $0x1  }
0x20: {  	s23 =	simm.s32 $0x14000;
	s26 =	simm.s32 $0x5;
	s1 =	rddreg [dreg:$0x3]  }
0x21: {  	s21 =	simm.s32 $0x18000;
	[dreg:$0x14] =	wrdreg s24;
	p1 =	sne.s32 s19, $0x1  }
.Ltmp0:
0x22: {  	s3 =	simm.s32 $0x8;
	[dreg:$0x16] =	wrdreg s9;
	(pc) =	sbr.rel @!p1 .LBB2_3-.Ltmp0, $4  }
0x23: {  	s4 =	simm.s32 $0x9;
	s17 =	simm.s32 $0xB;
	[dreg:$0x17] =	wrdreg s10  }
0x24: {  	s16 =	simm.s32 $0xC;
	s12 =	simm.s32 $0xE;
	[dreg:$0x19] =	wrdreg s13  }
0x25: {  	s10 =	simm.s32 $0x1;
	s9 =	simm.s32 $0x2;
	s24 =	simm.s32 $0x6  }
0x26: {  	s0 =	sadd.s32 $0xFFFFFFFF, s19;
	s19 =	simm.s32 $0xA;
	s13 =	simm.s32 $0xD  }
0x27: {  	[dreg:$0x1b] =	wrdreg s0  }
0x28: {  	[tilespmem:s2], [sflag:$0x1] =	stream.linear.gather [hbm4b:s1+s2], $0x4000, $0x38;
	[tilespmem:$0x1C000] =	vst v63  }
0x29: {  	s0 =	rddreg [dreg:$0x4]  }
0x2a: {  	[tilespmem:s6], [sflag:$0x2] =	stream.linear.gather [hbm4b:s0+s2], $0x4000, $0x38;
	[tilespmem:$0x1C000] =	vst v63  }
0x2b: {  	_ =	swait.ge [sflag:s10], $0x4000  }
0x2c: {  	[sflag:s10] =	ssyncset.done $0x0  }
0x2d: {  	s0 =	rddreg [dreg:$0x5];
	[sflag:s10] =	ssyncadd.s32 $0xFFFFC000  }
0x2e: {  	[hbm4b:s0+s2] =	stream.linear.scatter [tilespmem:s2], [sflag:$0x8], $0x4000, $0x38;
	[tilespmem:$0x1C000] =	vst v63  }
0x2f: {  	s1 =	rddreg [dreg:$0x6]  }
0x30: {  	[tilespmem:s30], [sflag:$0x3] =	stream.linear.gather [hbm4b:s1+s2], $0x4000, $0x38;
	[tilespmem:$0x1C000] =	vst v63  }
0x31: {  	_ =	swait.ge [sflag:s9], $0x4000  }
0x32: {  	[sflag:s9] =	ssyncset.done $0x0  }
0x33: {  	s0 =	rddreg [dreg:$0x7];
	[sflag:s9] =	ssyncadd.s32 $0xFFFFC000  }
0x34: {  	[hbm4b:s0+s2] =	stream.linear.scatter [tilespmem:s6], [sflag:$0x9], $0x4000, $0x38;
	[tilespmem:$0x1C000] =	vst v63  }
0x35: {  	s1 =	rddreg [dreg:$0x8]  }
0x36: {  	[tilespmem:s28], [sflag:$0x4] =	stream.linear.gather [hbm4b:s1+s2], $0x4000, $0x38;
	[tilespmem:$0x1C000] =	vst v63  }
0x37: {  	_ =	swait.ge [sflag:s31], $0x4000  }
0x38: {  	[sflag:s31] =	ssyncset.done $0x0  }
0x39: {  	s0 =	rddreg [dreg:$0x9];
	[sflag:s31] =	ssyncadd.s32 $0xFFFFC000  }
0x3a: {  	[hbm4b:s0+s2] =	stream.linear.scatter [tilespmem:s30], [sflag:$0xA], $0x4000, $0x38;
	[tilespmem:$0x1C000] =	vst v63  }
0x3b: {  	s1 =	rddreg [dreg:$0xa]  }
0x3c: {  	[tilespmem:s25], [sflag:$0x5] =	stream.linear.gather [hbm4b:s1+s2], $0x4000, $0x38;
	[tilespmem:$0x1C000] =	vst v63  }
0x3d: {  	_ =	swait.ge [sflag:s29], $0x4000  }
0x3e: {  	[sflag:s29] =	ssyncset.done $0x0  }
0x3f: {  	s0 =	rddreg [dreg:$0xb];
	[sflag:s29] =	ssyncadd.s32 $0xFFFFC000  }
0x40: {  	[hbm4b:s0+s2] =	stream.linear.scatter [tilespmem:s28], [sflag:$0xB], $0x4000, $0x38;
	[tilespmem:$0x1C000] =	vst v63  }
0x41: {  	s1 =	rddreg [dreg:$0xc]  }
0x42: {  	[tilespmem:s23], [sflag:$0x6] =	stream.linear.gather [hbm4b:s1+s2], $0x4000, $0x38;
	[tilespmem:$0x1C000] =	vst v63  }
0x43: {  	_ =	swait.ge [sflag:s26], $0x4000  }
0x44: {  	[sflag:s26] =	ssyncset.done $0x0  }
0x45: {  	s0 =	rddreg [dreg:$0xd];
	[sflag:s26] =	ssyncadd.s32 $0xFFFFC000  }
0x46: {  	[hbm4b:s0+s2] =	stream.linear.scatter [tilespmem:s25], [sflag:$0xC], $0x4000, $0x38;
	[tilespmem:$0x1C000] =	vst v63  }
0x47: {  	s1 =	rddreg [dreg:$0xe]  }
0x48: {  	[tilespmem:s21], [sflag:$0x7] =	stream.linear.gather [hbm4b:s1+s2], $0x4000, $0x38;
	[tilespmem:$0x1C000] =	vst v63  }
0x49: {  	_ =	swait.ge [sflag:s24], $0x4000  }
0x4a: {  	[sflag:s24] =	ssyncset.done $0x0  }
0x4b: {  	s1 =	rddreg [dreg:$0xf];
	[sflag:s24] =	ssyncadd.s32 $0xFFFFC000  }
0x4c: {  	[hbm4b:s1+s2] =	stream.linear.scatter [tilespmem:s23], [sflag:$0xD], $0x4000, $0x38;
	[tilespmem:$0x1C000] =	vst v63  }
0x4d: {  	_ =	swait.ge [sflag:s3], $0x4000  }
0x4e: {  	[sflag:s3] =	ssyncset.done $0x0  }
0x4f: {  	s1 =	rddreg [dreg:$0x10];
	[sflag:s3] =	ssyncadd.s32 $0xFFFFC000  }
0x50: {  	[tilespmem:s2], [sflag:$0x1] =	stream.linear.gather [hbm4b:s1+s2], $0x4000, $0x38;
	[tilespmem:$0x1C000] =	vst v63  }
0x51: {  	_ =	swait.ge [sflag:s22], $0x4000  }
0x52: {  	[sflag:s22] =	ssyncset.done $0x0  }
0x53: {  	s1 =	rddreg [dreg:$0x11];
	[sflag:s22] =	ssyncadd.s32 $0xFFFFC000  }
0x54: {  	[hbm4b:s1+s2] =	stream.linear.scatter [tilespmem:s21], [sflag:$0xE], $0x4000, $0x38;
	[tilespmem:$0x1C000] =	vst v63  }
0x55: {  	_ =	swait.ge [sflag:s4], $0x4000  }
0x56: {  	[sflag:s4] =	ssyncset.done $0x0  }
0x57: {  	s1 =	rddreg [dreg:$0x12];
	[sflag:s4] =	ssyncadd.s32 $0xFFFFC000  }
0x58: {  	[tilespmem:s6], [sflag:$0x2] =	stream.linear.gather [hbm4b:s1+s2], $0x4000, $0x38;
	[tilespmem:$0x1C000] =	vst v63  }
0x59: {  	_ =	swait.ge [sflag:s10], $0x4000  }
0x5a: {  	[sflag:s10] =	ssyncset.done $0x0  }
0x5b: {  	s1 =	rddreg [dreg:$0x13];
	[sflag:s10] =	ssyncadd.s32 $0xFFFFC000  }
0x5c: {  	[hbm4b:s1+s2] =	stream.linear.scatter [tilespmem:s2], [sflag:$0x8], $0x4000, $0x38;
	[tilespmem:$0x1C000] =	vst v63  }
0x5d: {  	_ =	swait.ge [sflag:s19], $0x4000  }
0x5e: {  	[sflag:s19] =	ssyncset.done $0x0  }
0x5f: {  	s1 =	rddreg [dreg:$0x14];
	[sflag:s19] =	ssyncadd.s32 $0xFFFFC000  }
0x60: {  	[tilespmem:s30], [sflag:$0x3] =	stream.linear.gather [hbm4b:s1+s2], $0x4000, $0x38;
	[tilespmem:$0x1C000] =	vst v63  }
0x61: {  	_ =	swait.ge [sflag:s9], $0x4000  }
0x62: {  	[sflag:s9] =	ssyncset.done $0x0  }
0x63: {  	s1 =	rddreg [dreg:$0x15];
	[sflag:s9] =	ssyncadd.s32 $0xFFFFC000  }
0x64: {  	[hbm4b:s1+s2] =	stream.linear.scatter [tilespmem:s6], [sflag:$0x9], $0x4000, $0x38;
	[tilespmem:$0x1C000] =	vst v63  }
0x65: {  	_ =	swait.ge [sflag:s17], $0x4000  }
0x66: {  	[sflag:s17] =	ssyncset.done $0x0  }
0x67: {  	s1 =	rddreg [dreg:$0x16];
	[sflag:s17] =	ssyncadd.s32 $0xFFFFC000  }
0x68: {  	[tilespmem:s28], [sflag:$0x4] =	stream.linear.gather [hbm4b:s1+s2], $0x4000, $0x38;
	[tilespmem:$0x1C000] =	vst v63  }
0x69: {  	_ =	swait.ge [sflag:s31], $0x4000  }
0x6a: {  	[sflag:s31] =	ssyncset.done $0x0  }
0x6b: {  	s1 =	rddreg [dreg:$0x17];
	[sflag:s31] =	ssyncadd.s32 $0xFFFFC000  }
0x6c: {  	[hbm4b:s1+s2] =	stream.linear.scatter [tilespmem:s30], [sflag:$0xA], $0x4000, $0x38;
	[tilespmem:$0x1C000] =	vst v63  }
0x6d: {  	_ =	swait.ge [sflag:s16], $0x4000  }
0x6e: {  	[sflag:s16] =	ssyncset.done $0x0  }
0x6f: {  	s1 =	rddreg [dreg:$0x18];
	[sflag:s16] =	ssyncadd.s32 $0xFFFFC000  }
0x70: {  	[tilespmem:s25], [sflag:$0x5] =	stream.linear.gather [hbm4b:s1+s2], $0x4000, $0x38;
	[tilespmem:$0x1C000] =	vst v63  }
0x71: {  	_ =	swait.ge [sflag:s29], $0x4000  }
0x72: {  	[sflag:s29] =	ssyncset.done $0x0  }
0x73: {  	s1 =	rddreg [dreg:$0x19];
	[sflag:s29] =	ssyncadd.s32 $0xFFFFC000  }
0x74: {  	[hbm4b:s1+s2] =	stream.linear.scatter [tilespmem:s28], [sflag:$0xB], $0x4000, $0x38;
	[tilespmem:$0x1C000] =	vst v63  }
0x75: {  	_ =	swait.ge [sflag:s13], $0x4000  }
0x76: {  	[sflag:s13] =	ssyncset.done $0x0  }
0x77: {  	s1 =	rddreg [dreg:$0x1a];
	[sflag:s13] =	ssyncadd.s32 $0xFFFFC000  }
0x78: {  	[tilespmem:s23], [sflag:$0x6] =	stream.linear.gather [hbm4b:s1+s2], $0x4000, $0x38;
	[tilespmem:$0x1C000] =	vst v63  }
0x79: {  	_ =	swait.ge [sflag:s26], $0x4000  }
0x7a: {  	[sflag:s26] =	ssyncset.done $0x0  }
0x7b: {  	[sflag:s26] =	ssyncadd.s32 $0xFFFFC000  }
0x7c: {  	[hbm4b:s20+s2] =	stream.linear.scatter [tilespmem:s25], [sflag:$0xC], $0x4000, $0x38;
	[tilespmem:$0x1C000] =	vst v63  }
0x7d: {  	_ =	swait.ge [sflag:s12], $0x4000  }
0x7e: {  	[sflag:s12] =	ssyncset.done $0x0  }
0x7f: {  	[sflag:s12] =	ssyncadd.s32 $0xFFFFC000  }
0x80: {  	[tilespmem:s21], [sflag:$0x7] =	stream.linear.gather [hbm4b:s18+s2], $0x4000, $0x38;
	[tilespmem:$0x1C000] =	vst v63  }
0x81: {  	_ =	swait.ge [sflag:s24], $0x4000  }
0x82: {  	[sflag:s24] =	ssyncset.done $0x0  }
0x83: {  	[sflag:s24] =	ssyncadd.s32 $0xFFFFC000  }
0x84: {  	[hbm4b:s15+s2] =	stream.linear.scatter [tilespmem:s23], [sflag:$0xD], $0x4000, $0x38;
	[tilespmem:$0x1C000] =	vst v63  }
0x85: {  	_ =	swait.ge [sflag:s3], $0x4000  }
0x86: {  	[sflag:s3] =	ssyncset.done $0x0  }
0x87: {  	[sflag:s3] =	ssyncadd.s32 $0xFFFFC000  }
0x88: {  	[tilespmem:s2], [sflag:$0x1] =	stream.linear.gather [hbm4b:s14+s2], $0x4000, $0x38;
	[tilespmem:$0x1C000] =	vst v63  }
0x89: {  	_ =	swait.ge [sflag:s22], $0x4000  }
0x8a: {  	[sflag:s22] =	ssyncset.done $0x0  }
0x8b: {  	[sflag:s22] =	ssyncadd.s32 $0xFFFFC000  }
0x8c: {  	[hbm4b:s11+s2] =	stream.linear.scatter [tilespmem:s21], [sflag:$0xE], $0x4000, $0x38;
	[tilespmem:$0x1C000] =	vst v63  }
0x8d: {  	_ =	swait.ge [sflag:s4], $0x4000  }
0x8e: {  	[sflag:s4] =	ssyncset.done $0x0  }
0x8f: {  	[sflag:s4] =	ssyncadd.s32 $0xFFFFC000  }
0x90: {  	[tilespmem:s6], [sflag:$0x2] =	stream.linear.gather [hbm4b:s8+s2], $0x4000, $0x38;
	[tilespmem:$0x1C000] =	vst v63  }
0x91: {  	_ =	swait.ge [sflag:s10], $0x4000  }
0x92: {  	[sflag:s10] =	ssyncset.done $0x0  }
0x93: {  	[sflag:s10] =	ssyncadd.s32 $0xFFFFC000  }
0x94: {  	[hbm4b:s7+s2] =	stream.linear.scatter [tilespmem:s2], [sflag:$0x8], $0x4000, $0x38;
	[tilespmem:$0x1C000] =	vst v63  }
0x95: {  	_ =	swait.ge [sflag:s9], $0x4000  }
0x96: {  	[sflag:s9] =	ssyncset.done $0x0  }
0x97: {  	[sflag:s9] =	ssyncadd.s32 $0xFFFFC000  }
0x98: {  	[hbm4b:s5+s2] =	stream.linear.scatter [tilespmem:s6], [sflag:$0x9], $0x4000, $0x38;
	[tilespmem:$0x1C000] =	vst v63  }
0x99: {  	_ =	swait.ge [sflag:s19], $0x4000  }
0x9a: {  	[sflag:s19] =	ssyncset.done $0x0  }
0x9b: {  	[sflag:s19] =	ssyncadd.s32 $0xFFFFC000  }
0x9c: {  	_ =	swait.ge [sflag:s17], $0x4000  }
0x9d: {  	[sflag:s17] =	ssyncset.done $0x0  }
0x9e: {  	[sflag:s17] =	ssyncadd.s32 $0xFFFFC000  }
0x9f: {  	_ =	swait.ge [sflag:s16], $0x4000  }
0xa0: {  	[sflag:s16] =	ssyncset.done $0x0  }
0xa1: {  	[sflag:s16] =	ssyncadd.s32 $0xFFFFC000  }
0xa2: {  	_ =	swait.ge [sflag:s13], $0x4000  }
0xa3: {  	[sflag:s13] =	ssyncset.done $0x0  }
0xa4: {  	[sflag:s13] =	ssyncadd.s32 $0xFFFFC000  }
0xa5: {  	_ =	swait.ge [sflag:s12], $0x4000  }
0xa6: {  	[sflag:s12] =	ssyncset.done $0x0  }
0xa7: {  	[sflag:s12] =	ssyncadd.s32 $0xFFFFC000  }
0xa8: {  	_ =	swait.ge [sflag:s3], $0x4000  }
0xa9: {  	s1 =	rddreg [dreg:$0x1b]  }
0xaa: {  	p1 =	sne.s32 s1, $0x1  }
.Ltmp1:
0xab: {  	_ = 	snop;
	(pc) =	sbr.rel @!p1 .LBB2_3-.Ltmp1, $4  }
0xac: {  	[sflag:s3] =	ssyncset.done $0x0  }
0xad: {  	[sflag:s3] =	ssyncadd.s32 $0xFFFFC000  }
0xae: {  	p0 =	por $0x1, $0x1;
	_ =	swait.ge [sflag:s4], $0x4000  }
0xaf: {  	s0 =	sadd.s32 $0xFFFFFFFF, s1;
	s1 =	rddreg [dreg:$0x3];
	[sflag:s4] =	ssyncset.done $0x0  }
.LBB2_2:
0xb0: {  	[sflag:s4] =	ssyncadd.s32 $0xFFFFC000;
	s12 =	simm.s32 $0x4000  }
0xb1: {  	s21 =	smov.u32 s20;
	s20 =	smov.u32 s18;
	s18 =	smov.u32 s15  }
0xb2: {  	s15 =	smov.u32 s14;
	s14 =	smov.u32 s11;
	s11 =	smov.u32 s8  }
0xb3: {  	[tilespmem:s2], [sflag:$0x1] =	stream.linear.gather [hbm4b:s1+s2], $0x4000, $0x38;
	[tilespmem:$0x1C000] =	vst v63  }
0xb4: {  	s8 =	smov.u32 s7;
	s7 =	smov.u32 s5;
	s5 =	rddreg [dreg:$0x4]  }
0xb5: {  	[tilespmem:s12], [sflag:$0x2] =	stream.linear.gather [hbm4b:s5+s2], $0x4000, $0x38;
	[tilespmem:$0x1C000] =	vst v63  }
0xb6: {  	_ =	swait.ge [sflag:s10], $0x4000  }
0xb7: {  	[sflag:s10] =	ssyncset.done $0x0  }
0xb8: {  	s1 =	rddreg [dreg:$0x5];
	[sflag:s10] =	ssyncadd.s32 $0xFFFFC000  }
0xb9: {  	[hbm4b:s1+s2] =	stream.linear.scatter [tilespmem:s2], [sflag:$0x8], $0x4000, $0x38;
	[tilespmem:$0x1C000] =	vst v63  }
0xba: {  	s6 =	simm.s32 $0x8000;
	s5 =	rddreg [dreg:$0x6]  }
0xbb: {  	[tilespmem:s6], [sflag:$0x3] =	stream.linear.gather [hbm4b:s5+s2], $0x4000, $0x38;
	[tilespmem:$0x1C000] =	vst v63  }
0xbc: {  	_ =	swait.ge [sflag:s9], $0x4000  }
0xbd: {  	[sflag:s9] =	ssyncset.done $0x0  }
0xbe: {  	s6 =	simm.s32 $0x4000;
	s1 =	rddreg [dreg:$0x7];
	[sflag:s9] =	ssyncadd.s32 $0xFFFFC000  }
0xbf: {  	[hbm4b:s1+s2] =	stream.linear.scatter [tilespmem:s6], [sflag:$0x9], $0x4000, $0x38;
	[tilespmem:$0x1C000] =	vst v63  }
0xc0: {  	s30 =	simm.s32 $0xC000;
	s5 =	rddreg [dreg:$0x8]  }
0xc1: {  	[tilespmem:s30], [sflag:$0x4] =	stream.linear.gather [hbm4b:s5+s2], $0x4000, $0x38;
	[tilespmem:$0x1C000] =	vst v63  }
0xc2: {  	_ =	swait.ge [sflag:s31], $0x4000  }
0xc3: {  	[sflag:s31] =	ssyncset.done $0x0  }
0xc4: {  	s30 =	simm.s32 $0x8000;
	s1 =	rddreg [dreg:$0x9];
	[sflag:s31] =	ssyncadd.s32 $0xFFFFC000  }
0xc5: {  	[hbm4b:s1+s2] =	stream.linear.scatter [tilespmem:s30], [sflag:$0xA], $0x4000, $0x38;
	[tilespmem:$0x1C000] =	vst v63  }
0xc6: {  	s28 =	simm.s32 $0x10000;
	s5 =	rddreg [dreg:$0xa]  }
0xc7: {  	[tilespmem:s28], [sflag:$0x5] =	stream.linear.gather [hbm4b:s5+s2], $0x4000, $0x38;
	[tilespmem:$0x1C000] =	vst v63  }
0xc8: {  	_ =	swait.ge [sflag:s29], $0x4000  }
0xc9: {  	[sflag:s29] =	ssyncset.done $0x0  }
0xca: {  	s28 =	simm.s32 $0xC000;
	s1 =	rddreg [dreg:$0xb];
	[sflag:s29] =	ssyncadd.s32 $0xFFFFC000  }
0xcb: {  	[hbm4b:s1+s2] =	stream.linear.scatter [tilespmem:s28], [sflag:$0xB], $0x4000, $0x38;
	[tilespmem:$0x1C000] =	vst v63  }
0xcc: {  	s25 =	simm.s32 $0x14000;
	s5 =	rddreg [dreg:$0xc]  }
0xcd: {  	[tilespmem:s25], [sflag:$0x6] =	stream.linear.gather [hbm4b:s5+s2], $0x4000, $0x38;
	[tilespmem:$0x1C000] =	vst v63  }
0xce: {  	_ =	swait.ge [sflag:s26], $0x4000  }
0xcf: {  	[sflag:s26] =	ssyncset.done $0x0  }
0xd0: {  	s25 =	simm.s32 $0x10000;
	s1 =	rddreg [dreg:$0xd];
	[sflag:s26] =	ssyncadd.s32 $0xFFFFC000  }
0xd1: {  	[hbm4b:s1+s2] =	stream.linear.scatter [tilespmem:s25], [sflag:$0xC], $0x4000, $0x38;
	[tilespmem:$0x1C000] =	vst v63  }
0xd2: {  	s23 =	simm.s32 $0x18000;
	s5 =	rddreg [dreg:$0xe]  }
0xd3: {  	[tilespmem:s23], [sflag:$0x7] =	stream.linear.gather [hbm4b:s5+s2], $0x4000, $0x38;
	[tilespmem:$0x1C000] =	vst v63  }
0xd4: {  	_ =	swait.ge [sflag:s24], $0x4000  }
0xd5: {  	[sflag:s24] =	ssyncset.done $0x0  }
0xd6: {  	s23 =	simm.s32 $0x14000;
	s1 =	rddreg [dreg:$0xf];
	[sflag:s24] =	ssyncadd.s32 $0xFFFFC000  }
0xd7: {  	[hbm4b:s1+s2] =	stream.linear.scatter [tilespmem:s23], [sflag:$0xD], $0x4000, $0x38;
	[tilespmem:$0x1C000] =	vst v63  }
0xd8: {  	s5 =	smov.u32 s7;
	_ =	swait.ge [sflag:s3], $0x4000  }
0xd9: {  	s7 =	smov.u32 s8;
	s8 =	smov.u32 s11;
	[sflag:s3] =	ssyncset.done $0x0  }
0xda: {  	s11 =	smov.u32 s14;
	s1 =	rddreg [dreg:$0x10];
	[sflag:s3] =	ssyncadd.s32 $0xFFFFC000  }
0xdb: {  	[tilespmem:s2], [sflag:$0x1] =	stream.linear.gather [hbm4b:s1+s2], $0x4000, $0x38;
	[tilespmem:$0x1C000] =	vst v63  }
0xdc: {  	s14 =	smov.u32 s15;
	s15 =	smov.u32 s18;
	_ =	swait.ge [sflag:s22], $0x4000  }
0xdd: {  	s18 =	smov.u32 s20;
	s20 =	smov.u32 s21;
	[sflag:s22] =	ssyncset.done $0x0  }
0xde: {  	s21 =	simm.s32 $0x18000;
	s1 =	rddreg [dreg:$0x11];
	[sflag:s22] =	ssyncadd.s32 $0xFFFFC000  }
0xdf: {  	[hbm4b:s1+s2] =	stream.linear.scatter [tilespmem:s21], [sflag:$0xE], $0x4000, $0x38;
	[tilespmem:$0x1C000] =	vst v63  }
0xe0: {  	_ =	swait.ge [sflag:s4], $0x4000  }
0xe1: {  	[sflag:s4] =	ssyncset.done $0x0  }
0xe2: {  	s1 =	rddreg [dreg:$0x12];
	[sflag:s4] =	ssyncadd.s32 $0xFFFFC000  }
0xe3: {  	[tilespmem:s6], [sflag:$0x2] =	stream.linear.gather [hbm4b:s1+s2], $0x4000, $0x38;
	[tilespmem:$0x1C000] =	vst v63  }
0xe4: {  	_ =	swait.ge [sflag:s10], $0x4000  }
0xe5: {  	[sflag:s10] =	ssyncset.done $0x0  }
0xe6: {  	s1 =	rddreg [dreg:$0x13];
	[sflag:s10] =	ssyncadd.s32 $0xFFFFC000  }
0xe7: {  	[hbm4b:s1+s2] =	stream.linear.scatter [tilespmem:s2], [sflag:$0x8], $0x4000, $0x38;
	[tilespmem:$0x1C000] =	vst v63  }
0xe8: {  	_ =	swait.ge [sflag:s19], $0x4000  }
0xe9: {  	[sflag:s19] =	ssyncset.done $0x0  }
0xea: {  	s1 =	rddreg [dreg:$0x14];
	[sflag:s19] =	ssyncadd.s32 $0xFFFFC000  }
0xeb: {  	[tilespmem:s30], [sflag:$0x3] =	stream.linear.gather [hbm4b:s1+s2], $0x4000, $0x38;
	[tilespmem:$0x1C000] =	vst v63  }
0xec: {  	_ =	swait.ge [sflag:s9], $0x4000  }
0xed: {  	[sflag:s9] =	ssyncset.done $0x0  }
0xee: {  	s1 =	rddreg [dreg:$0x15];
	[sflag:s9] =	ssyncadd.s32 $0xFFFFC000  }
0xef: {  	[hbm4b:s1+s2] =	stream.linear.scatter [tilespmem:s6], [sflag:$0x9], $0x4000, $0x38;
	[tilespmem:$0x1C000] =	vst v63  }
0xf0: {  	_ =	swait.ge [sflag:s17], $0x4000  }
0xf1: {  	[sflag:s17] =	ssyncset.done $0x0  }
0xf2: {  	s1 =	rddreg [dreg:$0x16];
	[sflag:s17] =	ssyncadd.s32 $0xFFFFC000  }
0xf3: {  	[tilespmem:s28], [sflag:$0x4] =	stream.linear.gather [hbm4b:s1+s2], $0x4000, $0x38;
	[tilespmem:$0x1C000] =	vst v63  }
0xf4: {  	_ =	swait.ge [sflag:s31], $0x4000  }
0xf5: {  	[sflag:s31] =	ssyncset.done $0x0  }
0xf6: {  	s1 =	rddreg [dreg:$0x17];
	[sflag:s31] =	ssyncadd.s32 $0xFFFFC000  }
0xf7: {  	[hbm4b:s1+s2] =	stream.linear.scatter [tilespmem:s30], [sflag:$0xA], $0x4000, $0x38;
	[tilespmem:$0x1C000] =	vst v63  }
0xf8: {  	_ =	swait.ge [sflag:s16], $0x4000  }
0xf9: {  	[sflag:s16] =	ssyncset.done $0x0  }
0xfa: {  	s1 =	rddreg [dreg:$0x18];
	[sflag:s16] =	ssyncadd.s32 $0xFFFFC000  }
0xfb: {  	[tilespmem:s25], [sflag:$0x5] =	stream.linear.gather [hbm4b:s1+s2], $0x4000, $0x38;
	[tilespmem:$0x1C000] =	vst v63  }
0xfc: {  	_ =	swait.ge [sflag:s29], $0x4000  }
0xfd: {  	[sflag:s29] =	ssyncset.done $0x0  }
0xfe: {  	s1 =	rddreg [dreg:$0x19];
	[sflag:s29] =	ssyncadd.s32 $0xFFFFC000  }
0xff: {  	[hbm4b:s1+s2] =	stream.linear.scatter [tilespmem:s28], [sflag:$0xB], $0x4000, $0x38;
	[tilespmem:$0x1C000] =	vst v63  }
0x100: {  	_ =	swait.ge [sflag:s13], $0x4000  }
0x101: {  	[sflag:s13] =	ssyncset.done $0x0  }
0x102: {  	s1 =	rddreg [dreg:$0x1a];
	[sflag:s13] =	ssyncadd.s32 $0xFFFFC000  }
0x103: {  	[tilespmem:s23], [sflag:$0x6] =	stream.linear.gather [hbm4b:s1+s2], $0x4000, $0x38;
	[tilespmem:$0x1C000] =	vst v63  }
0x104: {  	_ =	swait.ge [sflag:s26], $0x4000  }
0x105: {  	[sflag:s26] =	ssyncset.done $0x0  }
0x106: {  	s12 =	simm.s32 $0xE;
	[sflag:s26] =	ssyncadd.s32 $0xFFFFC000  }
0x107: {  	[hbm4b:s20+s2] =	stream.linear.scatter [tilespmem:s25], [sflag:$0xC], $0x4000, $0x38;
	[tilespmem:$0x1C000] =	vst v63  }
0x108: {  	_ =	swait.ge [sflag:s12], $0x4000  }
0x109: {  	[sflag:s12] =	ssyncset.done $0x0  }
0x10a: {  	[sflag:s12] =	ssyncadd.s32 $0xFFFFC000  }
0x10b: {  	[tilespmem:s21], [sflag:$0x7] =	stream.linear.gather [hbm4b:s18+s2], $0x4000, $0x38;
	[tilespmem:$0x1C000] =	vst v63  }
0x10c: {  	_ =	swait.ge [sflag:s24], $0x4000  }
0x10d: {  	[sflag:s24] =	ssyncset.done $0x0  }
0x10e: {  	[sflag:s24] =	ssyncadd.s32 $0xFFFFC000  }
0x10f: {  	[hbm4b:s15+s2] =	stream.linear.scatter [tilespmem:s23], [sflag:$0xD], $0x4000, $0x38;
	[tilespmem:$0x1C000] =	vst v63  }
0x110: {  	_ =	swait.ge [sflag:s3], $0x4000  }
0x111: {  	[sflag:s3] =	ssyncset.done $0x0  }
0x112: {  	[sflag:s3] =	ssyncadd.s32 $0xFFFFC000  }
0x113: {  	[tilespmem:s2], [sflag:$0x1] =	stream.linear.gather [hbm4b:s14+s2], $0x4000, $0x38;
	[tilespmem:$0x1C000] =	vst v63  }
0x114: {  	_ =	swait.ge [sflag:s22], $0x4000  }
0x115: {  	[sflag:s22] =	ssyncset.done $0x0  }
0x116: {  	[sflag:s22] =	ssyncadd.s32 $0xFFFFC000  }
0x117: {  	[hbm4b:s11+s2] =	stream.linear.scatter [tilespmem:s21], [sflag:$0xE], $0x4000, $0x38;
	[tilespmem:$0x1C000] =	vst v63  }
0x118: {  	_ =	swait.ge [sflag:s4], $0x4000  }
0x119: {  	[sflag:s4] =	ssyncset.done $0x0  }
0x11a: {  	[sflag:s4] =	ssyncadd.s32 $0xFFFFC000  }
0x11b: {  	[tilespmem:s6], [sflag:$0x2] =	stream.linear.gather [hbm4b:s8+s2], $0x4000, $0x38;
	[tilespmem:$0x1C000] =	vst v63  }
0x11c: {  	_ =	swait.ge [sflag:s10], $0x4000  }
0x11d: {  	[sflag:s10] =	ssyncset.done $0x0  }
0x11e: {  	[sflag:s10] =	ssyncadd.s32 $0xFFFFC000  }
0x11f: {  	[hbm4b:s7+s2] =	stream.linear.scatter [tilespmem:s2], [sflag:$0x8], $0x4000, $0x38;
	[tilespmem:$0x1C000] =	vst v63  }
0x120: {  	_ =	swait.ge [sflag:s9], $0x4000  }
0x121: {  	[sflag:s9] =	ssyncset.done $0x0  }
0x122: {  	[sflag:s9] =	ssyncadd.s32 $0xFFFFC000  }
0x123: {  	[hbm4b:s5+s2] =	stream.linear.scatter [tilespmem:s6], [sflag:$0x9], $0x4000, $0x38;
	[tilespmem:$0x1C000] =	vst v63  }
0x124: {  	_ =	swait.ge [sflag:s19], $0x4000  }
0x125: {  	[sflag:s19] =	ssyncset.done $0x0  }
0x126: {  	[sflag:s19] =	ssyncadd.s32 $0xFFFFC000  }
0x127: {  	_ =	swait.ge [sflag:s17], $0x4000  }
0x128: {  	[sflag:s17] =	ssyncset.done $0x0  }
0x129: {  	[sflag:s17] =	ssyncadd.s32 $0xFFFFC000  }
0x12a: {  	_ =	swait.ge [sflag:s16], $0x4000  }
0x12b: {  	[sflag:s16] =	ssyncset.done $0x0  }
0x12c: {  	[sflag:s16] =	ssyncadd.s32 $0xFFFFC000  }
0x12d: {  	_ =	swait.ge [sflag:s13], $0x4000  }
0x12e: {  	[sflag:s13] =	ssyncset.done $0x0  }
0x12f: {  	[sflag:s13] =	ssyncadd.s32 $0xFFFFC000  }
0x130: {  	_ =	swait.ge [sflag:s12], $0x4000  }
0x131: {  	[sflag:s12] =	ssyncset.done $0x0  }
0x132: {  	p1 =	sne.s32 s0, $0x1;
	[sflag:s12] =	ssyncadd.s32 $0xFFFFC000  }
.Ltmp2:
0x133: {  	_ =	swait.ge [sflag:s3], $0x4000;
	(pc) =	sbr.rel @p1 .LBB2_2-.Ltmp2, $4  }
0x134: {  	[sflag:s3] =	ssyncset.done $0x0  }
0x135: {  	[sflag:s3] =	ssyncadd.s32 $0xFFFFC000  }
0x136: {  	_ =	swait.ge [sflag:s4], $0x4000  }
0x137: {  	s0 =	sadd.s32 $0xFFFFFFFF, s0;
	s1 =	rddreg [dreg:$0x3];
	[sflag:s4] =	ssyncset.done $0x0  }
.LBB2_3:
0x138: {  	[sflag:s4] =	ssyncadd.s32 @p0 $0xFFFFC000  }
0x139: {  	[tilespmem:s2], [sflag:$0x1] =	stream.linear.gather [hbm4b:s1+s2], $0x4000, $0x38;
	[tilespmem:$0x1C000] =	vst v63  }
0x13a: {  	s0 =	rddreg [dreg:$0x4]  }
0x13b: {  	[tilespmem:s6], [sflag:$0x2] =	stream.linear.gather [hbm4b:s0+s2], $0x4000, $0x38;
	[tilespmem:$0x1C000] =	vst v63  }
0x13c: {  	_ =	swait.ge [sflag:s10], $0x4000  }
0x13d: {  	[sflag:s10] =	ssyncset.done $0x0  }
0x13e: {  	s0 =	rddreg [dreg:$0x5];
	[sflag:s10] =	ssyncadd.s32 $0xFFFFC000  }
0x13f: {  	[hbm4b:s0+s2] =	stream.linear.scatter [tilespmem:s2], [sflag:$0x8], $0x4000, $0x38;
	[tilespmem:$0x1C000] =	vst v63  }
0x140: {  	s1 =	rddreg [dreg:$0x6]  }
0x141: {  	[tilespmem:s30], [sflag:$0x3] =	stream.linear.gather [hbm4b:s1+s2], $0x4000, $0x38;
	[tilespmem:$0x1C000] =	vst v63  }
0x142: {  	_ =	swait.ge [sflag:s9], $0x4000  }
0x143: {  	[sflag:s9] =	ssyncset.done $0x0  }
0x144: {  	s0 =	rddreg [dreg:$0x7];
	[sflag:s9] =	ssyncadd.s32 $0xFFFFC000  }
0x145: {  	[hbm4b:s0+s2] =	stream.linear.scatter [tilespmem:s6], [sflag:$0x9], $0x4000, $0x38;
	[tilespmem:$0x1C000] =	vst v63  }
0x146: {  	s1 =	rddreg [dreg:$0x8]  }
0x147: {  	[tilespmem:s28], [sflag:$0x4] =	stream.linear.gather [hbm4b:s1+s2], $0x4000, $0x38;
	[tilespmem:$0x1C000] =	vst v63  }
0x148: {  	_ =	swait.ge [sflag:s31], $0x4000  }
0x149: {  	[sflag:s31] =	ssyncset.done $0x0  }
0x14a: {  	s0 =	rddreg [dreg:$0x9];
	[sflag:s31] =	ssyncadd.s32 $0xFFFFC000  }
0x14b: {  	[hbm4b:s0+s2] =	stream.linear.scatter [tilespmem:s30], [sflag:$0xA], $0x4000, $0x38;
	[tilespmem:$0x1C000] =	vst v63  }
0x14c: {  	s1 =	rddreg [dreg:$0xa]  }
0x14d: {  	[tilespmem:s25], [sflag:$0x5] =	stream.linear.gather [hbm4b:s1+s2], $0x4000, $0x38;
	[tilespmem:$0x1C000] =	vst v63  }
0x14e: {  	_ =	swait.ge [sflag:s29], $0x4000  }
0x14f: {  	[sflag:s29] =	ssyncset.done $0x0  }
0x150: {  	s0 =	rddreg [dreg:$0xb];
	[sflag:s29] =	ssyncadd.s32 $0xFFFFC000  }
0x151: {  	[hbm4b:s0+s2] =	stream.linear.scatter [tilespmem:s28], [sflag:$0xB], $0x4000, $0x38;
	[tilespmem:$0x1C000] =	vst v63  }
0x152: {  	s1 =	rddreg [dreg:$0xc]  }
0x153: {  	[tilespmem:s23], [sflag:$0x6] =	stream.linear.gather [hbm4b:s1+s2], $0x4000, $0x38;
	[tilespmem:$0x1C000] =	vst v63  }
0x154: {  	_ =	swait.ge [sflag:s26], $0x4000  }
0x155: {  	[sflag:s26] =	ssyncset.done $0x0  }
0x156: {  	s0 =	rddreg [dreg:$0xd];
	[sflag:s26] =	ssyncadd.s32 $0xFFFFC000  }
0x157: {  	[hbm4b:s0+s2] =	stream.linear.scatter [tilespmem:s25], [sflag:$0xC], $0x4000, $0x38;
	[tilespmem:$0x1C000] =	vst v63  }
0x158: {  	s1 =	rddreg [dreg:$0xe]  }
0x159: {  	[tilespmem:s21], [sflag:$0x7] =	stream.linear.gather [hbm4b:s1+s2], $0x4000, $0x38;
	[tilespmem:$0x1C000] =	vst v63  }
0x15a: {  	_ =	swait.ge [sflag:s24], $0x4000  }
0x15b: {  	[sflag:s24] =	ssyncset.done $0x0  }
0x15c: {  	s1 =	rddreg [dreg:$0xf];
	[sflag:s24] =	ssyncadd.s32 $0xFFFFC000  }
0x15d: {  	[hbm4b:s1+s2] =	stream.linear.scatter [tilespmem:s23], [sflag:$0xD], $0x4000, $0x38;
	[tilespmem:$0x1C000] =	vst v63  }
0x15e: {  	_ =	swait.ge [sflag:s3], $0x4000  }
0x15f: {  	[sflag:s3] =	ssyncset.done $0x0  }
0x160: {  	s1 =	rddreg [dreg:$0x10];
	[sflag:s3] =	ssyncadd.s32 $0xFFFFC000  }
0x161: {  	[tilespmem:s2], [sflag:$0x1] =	stream.linear.gather [hbm4b:s1+s2], $0x4000, $0x38;
	[tilespmem:$0x1C000] =	vst v63  }
0x162: {  	_ =	swait.ge [sflag:s22], $0x4000  }
0x163: {  	[sflag:s22] =	ssyncset.done $0x0  }
0x164: {  	s1 =	rddreg [dreg:$0x11];
	[sflag:s22] =	ssyncadd.s32 $0xFFFFC000  }
0x165: {  	[hbm4b:s1+s2] =	stream.linear.scatter [tilespmem:s21], [sflag:$0xE], $0x4000, $0x38;
	[tilespmem:$0x1C000] =	vst v63  }
0x166: {  	_ =	swait.ge [sflag:s4], $0x4000  }
0x167: {  	[sflag:s4] =	ssyncset.done $0x0  }
0x168: {  	s1 =	rddreg [dreg:$0x12];
	[sflag:s4] =	ssyncadd.s32 $0xFFFFC000  }
0x169: {  	[tilespmem:s6], [sflag:$0x2] =	stream.linear.gather [hbm4b:s1+s2], $0x4000, $0x38;
	[tilespmem:$0x1C000] =	vst v63  }
0x16a: {  	_ =	swait.ge [sflag:s10], $0x4000  }
0x16b: {  	[sflag:s10] =	ssyncset.done $0x0  }
0x16c: {  	s1 =	rddreg [dreg:$0x13];
	[sflag:s10] =	ssyncadd.s32 $0xFFFFC000  }
0x16d: {  	[hbm4b:s1+s2] =	stream.linear.scatter [tilespmem:s2], [sflag:$0x8], $0x4000, $0x38;
	[tilespmem:$0x1C000] =	vst v63  }
0x16e: {  	_ =	swait.ge [sflag:s19], $0x4000  }
0x16f: {  	[sflag:s19] =	ssyncset.done $0x0  }
0x170: {  	s1 =	rddreg [dreg:$0x14];
	[sflag:s19] =	ssyncadd.s32 $0xFFFFC000  }
0x171: {  	[tilespmem:s30], [sflag:$0x3] =	stream.linear.gather [hbm4b:s1+s2], $0x4000, $0x38;
	[tilespmem:$0x1C000] =	vst v63  }
0x172: {  	_ =	swait.ge [sflag:s9], $0x4000  }
0x173: {  	[sflag:s9] =	ssyncset.done $0x0  }
0x174: {  	s1 =	rddreg [dreg:$0x15];
	[sflag:s9] =	ssyncadd.s32 $0xFFFFC000  }
0x175: {  	[hbm4b:s1+s2] =	stream.linear.scatter [tilespmem:s6], [sflag:$0x9], $0x4000, $0x38;
	[tilespmem:$0x1C000] =	vst v63  }
0x176: {  	_ =	swait.ge [sflag:s17], $0x4000  }
0x177: {  	[sflag:s17] =	ssyncset.done $0x0  }
0x178: {  	s1 =	rddreg [dreg:$0x16];
	[sflag:s17] =	ssyncadd.s32 $0xFFFFC000  }
0x179: {  	[tilespmem:s28], [sflag:$0x4] =	stream.linear.gather [hbm4b:s1+s2], $0x4000, $0x38;
	[tilespmem:$0x1C000] =	vst v63  }
0x17a: {  	_ =	swait.ge [sflag:s31], $0x4000  }
0x17b: {  	[sflag:s31] =	ssyncset.done $0x0  }
0x17c: {  	s1 =	rddreg [dreg:$0x17];
	[sflag:s31] =	ssyncadd.s32 $0xFFFFC000  }
0x17d: {  	[hbm4b:s1+s2] =	stream.linear.scatter [tilespmem:s30], [sflag:$0xA], $0x4000, $0x38;
	[tilespmem:$0x1C000] =	vst v63  }
0x17e: {  	_ =	swait.ge [sflag:s16], $0x4000  }
0x17f: {  	[sflag:s16] =	ssyncset.done $0x0  }
0x180: {  	s31 =	rddreg [dreg:$0x18];
	[sflag:s16] =	ssyncadd.s32 $0xFFFFC000  }
0x181: {  	[tilespmem:s25], [sflag:$0x5] =	stream.linear.gather [hbm4b:s31+s2], $0x4000, $0x38;
	[tilespmem:$0x1C000] =	vst v63  }
0x182: {  	_ =	swait.ge [sflag:s29], $0x4000  }
0x183: {  	[sflag:s29] =	ssyncset.done $0x0  }
0x184: {  	s1 =	rddreg [dreg:$0x19];
	[sflag:s29] =	ssyncadd.s32 $0xFFFFC000  }
0x185: {  	[hbm4b:s1+s2] =	stream.linear.scatter [tilespmem:s28], [sflag:$0xB], $0x4000, $0x38;
	[tilespmem:$0x1C000] =	vst v63  }
0x186: {  	_ =	swait.ge [sflag:s13], $0x4000  }
0x187: {  	[sflag:s13] =	ssyncset.done $0x0  }
0x188: {  	s30 =	rddreg [dreg:$0x1a];
	[sflag:s13] =	ssyncadd.s32 $0xFFFFC000  }
0x189: {  	[tilespmem:s23], [sflag:$0x6] =	stream.linear.gather [hbm4b:s30+s2], $0x4000, $0x38;
	[tilespmem:$0x1C000] =	vst v63  }
0x18a: {  	_ =	swait.ge [sflag:s26], $0x4000  }
0x18b: {  	[sflag:s26] =	ssyncset.done $0x0  }
0x18c: {  	[sflag:s26] =	ssyncadd.s32 $0xFFFFC000  }
0x18d: {  	[hbm4b:s20+s2] =	stream.linear.scatter [tilespmem:s25], [sflag:$0xC], $0x4000, $0x38;
	[tilespmem:$0x1C000] =	vst v63  }
0x18e: {  	_ =	swait.ge [sflag:s12], $0x4000  }
0x18f: {  	[sflag:s12] =	ssyncset.done $0x0  }
0x190: {  	[sflag:s12] =	ssyncadd.s32 $0xFFFFC000  }
0x191: {  	[tilespmem:s21], [sflag:$0x7] =	stream.linear.gather [hbm4b:s18+s2], $0x4000, $0x38;
	[tilespmem:$0x1C000] =	vst v63  }
0x192: {  	_ =	swait.ge [sflag:s24], $0x4000  }
0x193: {  	[sflag:s24] =	ssyncset.done $0x0  }
0x194: {  	[sflag:s24] =	ssyncadd.s32 $0xFFFFC000  }
0x195: {  	[hbm4b:s15+s2] =	stream.linear.scatter [tilespmem:s23], [sflag:$0xD], $0x4000, $0x38;
	[tilespmem:$0x1C000] =	vst v63  }
0x196: {  	_ =	swait.ge [sflag:s3], $0x4000  }
0x197: {  	[sflag:s3] =	ssyncset.done $0x0  }
0x198: {  	[sflag:s3] =	ssyncadd.s32 $0xFFFFC000  }
0x199: {  	[tilespmem:s2], [sflag:$0x1] =	stream.linear.gather [hbm4b:s14+s2], $0x4000, $0x38;
	[tilespmem:$0x1C000] =	vst v63  }
0x19a: {  	_ =	swait.ge [sflag:s22], $0x4000  }
0x19b: {  	[sflag:s22] =	ssyncset.done $0x0  }
0x19c: {  	[sflag:s22] =	ssyncadd.s32 $0xFFFFC000  }
0x19d: {  	[hbm4b:s11+s2] =	stream.linear.scatter [tilespmem:s21], [sflag:$0xE], $0x4000, $0x38;
	[tilespmem:$0x1C000] =	vst v63  }
0x19e: {  	_ =	swait.ge [sflag:s4], $0x4000  }
0x19f: {  	[sflag:s4] =	ssyncset.done $0x0  }
0x1a0: {  	[sflag:s4] =	ssyncadd.s32 $0xFFFFC000  }
0x1a1: {  	[tilespmem:s6], [sflag:$0x2] =	stream.linear.gather [hbm4b:s8+s2], $0x4000, $0x38;
	[tilespmem:$0x1C000] =	vst v63  }
0x1a2: {  	_ =	swait.ge [sflag:s10], $0x4000  }
0x1a3: {  	[sflag:s10] =	ssyncset.done $0x0  }
0x1a4: {  	[sflag:s10] =	ssyncadd.s32 $0xFFFFC000  }
0x1a5: {  	[hbm4b:s7+s2] =	stream.linear.scatter [tilespmem:s2], [sflag:$0x8], $0x4000, $0x38;
	[tilespmem:$0x1C000] =	vst v63  }
0x1a6: {  	_ =	swait.ge [sflag:s9], $0x4000  }
0x1a7: {  	[sflag:s9] =	ssyncset.done $0x0  }
0x1a8: {  	[sflag:s9] =	ssyncadd.s32 $0xFFFFC000  }
0x1a9: {  	[hbm4b:s5+s2] =	stream.linear.scatter [tilespmem:s6], [sflag:$0x9], $0x4000, $0x38;
	[tilespmem:$0x1C000] =	vst v63  }
0x1aa: {  	_ =	swait.ge [sflag:s19], $0x4000  }
0x1ab: {  	[sflag:s19] =	ssyncset.done $0x0  }
0x1ac: {  	[sflag:s19] =	ssyncadd.s32 $0xFFFFC000  }
0x1ad: {  	_ =	swait.ge [sflag:s17], $0x4000  }
0x1ae: {  	[sflag:s17] =	ssyncset.done $0x0  }
0x1af: {  	[sflag:s17] =	ssyncadd.s32 $0xFFFFC000  }
0x1b0: {  	_ =	swait.ge [sflag:s16], $0x4000  }
0x1b1: {  	[sflag:s16] =	ssyncset.done $0x0  }
0x1b2: {  	[sflag:s16] =	ssyncadd.s32 $0xFFFFC000  }
0x1b3: {  	_ =	swait.ge [sflag:s13], $0x4000  }
0x1b4: {  	[sflag:s13] =	ssyncset.done $0x0  }
0x1b5: {  	[sflag:s13] =	ssyncadd.s32 $0xFFFFC000  }
0x1b6: {  	_ =	swait.ge [sflag:s12], $0x4000  }
0x1b7: {  	[sflag:s12] =	ssyncset.done $0x0  }
0x1b8: {  	[sflag:s12] =	ssyncadd.s32 $0xFFFFC000  }
0x1b9: {  	_ =	swait.ge [sflag:s3], $0x4000  }
0x1ba: {  	[sflag:s3] =	ssyncset.done $0x0  }
0x1bb: {  	[sflag:s3] =	ssyncadd.s32 $0xFFFFC000  }
0x1bc: {  	_ =	swait.ge [sflag:s4], $0x4000  }
0x1bd: {  	[sflag:s4] =	ssyncset.done $0x0  }
0x1be: {  	[sflag:s4] =	ssyncadd.s32 $0xFFFFC000  }
0x1bf: {  	_ =	sfence.sel $0x180000  }
0x1c0: {  	[bflag:$0x0] =	sbarrier.arrive $0xFFFF  }
0x1c1: {  	_ =	strace $0x90000047  }
0x1c2: {  	s31 =	stileid.u32;
	[bflag:$0x2] =	sbarrier.arrive $0xFFFF  }
0x1c3: {  	p0 =	sne.s32 s31, $0x0;
	s0 =	rddreg [dreg:$0x2]  }
0x1c4: {  	s0 =	sadd.s32 @!p0 $0x100000, s0  }
0x1c5: {  	[sflag:s0] =	ssyncadd.tile.s32 @!p0 $0x1;
	_ =	shalt  }
.Lfunc_end2:
_tile_overlayer_lowered:
.L_overlay_start_2:
0x1c6: {  	(tag) =	ssettag $0x2  }
0x1c7: {  	s0 =	rddreg [dreg:$0x0];
	s2 =	stileid.u32  }
0x1c8: {  	s1 =	rddreg [dreg:$0x1];
	p0 =	sne.s32 s2, $0x0  }
0x1c9: {  	s3 =	rddreg [dreg:$0x2];
	[bflag:$0x3] =	sbarrier.arrive $0xFFFF;
	s2 =	simm.s32 @!p0 $0x1C0F  }
0x1ca: {  	[timem:s3], [sflag:s2] =	dma.local @!p0 [hbm:s0], s1  }
0x1cb: {  	s0 =	simm.s32 @!p0 $0xF  }
0x1cc: {  	_ =	swait.ge @!p0 [sflag:s0], s1  }
0x1cd: {  	s1 =	ssub.s32 @!p0 $0x0, s1;
	[sflag:s0] =	ssyncset.done @!p0 $0x0  }
0x1ce: {  	[sflag:s0] =	ssyncadd.s32 @!p0 s1  }
0x1cf: {  	[bflag:$0x3] =	sbarrier.arrive $0xFFFF  }
0x1d0: {  	_ =	shalt  }

</sc_bundles>
